<compile_context>
chip_gen: v7x
topology: tpu7x:2x2x1
jax: 0.10.2.dev20260603
libtpu: 0.0.44.dev20260713+nightly
codegen_flags: <defaults>
</compile_context>

<pallas_src>
import jax
import jax.numpy as jnp
from jax.experimental import pallas as pl
from jax.experimental.pallas import tpu as pltpu

_BN = 128
_EB = 256
_NEG_SLOPE = 0.2


def _scores_kernel(h_ref, a_ref, o_ref):
    o_ref[...] = jnp.dot(h_ref[...], a_ref[...],
                         preferred_element_type=jnp.float32)


def _gat_kernel(owner_ref, first_ref, last_ref,
                src_ref, dstlc_ref, dstlr_ref, mask_ref,
                si_ref, g_ref, out_ref, num_ref, den_ref):
    t = pl.program_id(0)
    EB = src_ref.shape[1]
    BN = si_ref.shape[1]
    H = si_ref.shape[2]
    Npad = g_ref.shape[0]
    D = g_ref.shape[1] - H

    @pl.when(first_ref[t] == 1)
    def _():
        num_ref[...] = jnp.zeros_like(num_ref)
        den_ref[...] = jnp.zeros_like(den_ref)

    src_col = src_ref[0]
    dstl_col = dstlc_ref[0]
    dstl_row = dstlr_ref[0]
    mask_col = mask_ref[0]

    oh_src = (src_col == jax.lax.broadcasted_iota(
        jnp.int32, (EB, Npad), 1)).astype(jnp.float32)
    gj = jnp.dot(oh_src, g_ref[...], preferred_element_type=jnp.float32)
    h_j = gj[:, :D]
    s_j = gj[:, D:]

    oh_dst = (dstl_col == jax.lax.broadcasted_iota(
        jnp.int32, (EB, BN), 1)).astype(jnp.float32)
    s_i = jnp.dot(oh_dst, si_ref[0], preferred_element_type=jnp.float32)

    e = s_i + s_j
    e = jnp.where(e > 0, e, _NEG_SLOPE * e)
    ex = jnp.exp(e) * mask_col

    ohT = (jax.lax.broadcasted_iota(jnp.int32, (BN, EB), 0)
           == dstl_row).astype(jnp.float32)
    den_ref[...] += jnp.dot(ohT, ex, preferred_element_type=jnp.float32)
    for h in range(H):
        num_ref[:, h * D:(h + 1) * D] += jnp.dot(
            ohT, ex[:, h:h + 1] * h_j, preferred_element_type=jnp.float32)

    @pl.when(last_ref[t] == 1)
    def _():
        den = den_ref[...]
        for h in range(H):
            x = num_ref[:, h * D:(h + 1) * D] / (den[:, h:h + 1] + 1e-16)
            out_ref[0, :, h * D:(h + 1) * D] = jnp.where(
                x > 0, x, jnp.exp(x) - 1.0)


def kernel(h_t, edge_index, att):
    N, D = h_t.shape
    H = att.shape[0]
    E = edge_index.shape[1]
    BN, EB = _BN, _EB
    Nb = -(-N // BN)
    Npad = Nb * BN
    T = E // EB + Nb

    src = edge_index[0].astype(jnp.int32)
    dst = edge_index[1].astype(jnp.int32)

    perm = jnp.argsort(dst)
    dsts = dst[perm]
    srcs = src[perm]
    owner_e = dsts // BN
    counts = jnp.bincount(owner_e, length=Nb).astype(jnp.int32)
    tiles_b = jnp.maximum(1, -(-counts // EB))
    cum_tiles = jnp.cumsum(tiles_b).astype(jnp.int32)
    slot_start = (jnp.concatenate(
        [jnp.zeros(1, jnp.int32), cum_tiles[:-1]]) * EB)
    row_start = jnp.concatenate(
        [jnp.zeros(1, jnp.int32), jnp.cumsum(counts)[:-1].astype(jnp.int32)])
    pos = jnp.arange(E, dtype=jnp.int32) - row_start[owner_e]
    dest = slot_start[owner_e] + pos

    src_p = jnp.zeros(T * EB, jnp.int32).at[dest].set(srcs)
    dstl_p = jnp.zeros(T * EB, jnp.int32).at[dest].set(dsts - owner_e * BN)
    mask_p = jnp.zeros(T * EB, jnp.float32).at[dest].set(1.0)

    owner_t = jnp.searchsorted(
        cum_tiles, jnp.arange(T, dtype=jnp.int32), side='right')
    owner_t = jnp.minimum(owner_t, Nb - 1).astype(jnp.int32)
    prev = jnp.concatenate([jnp.full(1, -1, jnp.int32), owner_t[:-1]])
    nxt = jnp.concatenate([owner_t[1:], jnp.full(1, -2, jnp.int32)])
    first_t = (owner_t != prev).astype(jnp.int32)
    last_t = (owner_t != nxt).astype(jnp.int32)

    h_pad = jnp.pad(h_t, ((0, Npad - N), (0, 0)))
    att_T = jnp.concatenate([att[:, :D].T, att[:, D:].T], axis=1)

    scores = pl.pallas_call(
        _scores_kernel,
        out_shape=jax.ShapeDtypeStruct((Npad, 2 * H), jnp.float32),
    )(h_pad, att_T)

    si_blk = scores[:, :H].reshape(Nb, BN, H)
    g_tab = jnp.concatenate([h_pad, scores[:, H:]], axis=1)

    grid_spec = pltpu.PrefetchScalarGridSpec(
        num_scalar_prefetch=3,
        grid=(T,),
        in_specs=[
            pl.BlockSpec((1, EB, 1), lambda t, o, f, l: (t, 0, 0)),
            pl.BlockSpec((1, EB, 1), lambda t, o, f, l: (t, 0, 0)),
            pl.BlockSpec((1, 1, EB), lambda t, o, f, l: (t, 0, 0)),
            pl.BlockSpec((1, EB, 1), lambda t, o, f, l: (t, 0, 0)),
            pl.BlockSpec((1, BN, H), lambda t, o, f, l: (o[t], 0, 0)),
            pl.BlockSpec((Npad, D + H), lambda t, o, f, l: (0, 0)),
        ],
        out_specs=pl.BlockSpec((1, BN, H * D), lambda t, o, f, l: (o[t], 0, 0)),
        scratch_shapes=[
            pltpu.VMEM((BN, H * D), jnp.float32),
            pltpu.VMEM((BN, H), jnp.float32),
        ],
    )
    out3 = pl.pallas_call(
        _gat_kernel,
        grid_spec=grid_spec,
        out_shape=jax.ShapeDtypeStruct((Nb, BN, H * D), jnp.float32),
    )(owner_t, first_t, last_t,
      src_p.reshape(T, EB, 1), dstl_p.reshape(T, EB, 1),
      dstl_p.reshape(T, 1, EB), mask_p.reshape(T, EB, 1),
      si_blk, g_tab)

    return out3.reshape(Npad, H * D)[:N]

# --- scband reference (transcript-rebuilt; emitter-appended) ---
"""Pipeline reference for scband-meta-path-gatlayer-11751030522360 (READ-ONLY COPY).

The authoritative reference and input builder live on the scoring server;
editing this copy changes nothing except your own understanding.
"""

import jax, jax.numpy as jnp
import numpy as np

N = 10000
E = 160000
D = 128
H = 8
NEG_SLOPE = 0.2


def setup_inputs(seed: int = 0) -> dict:
    key = jax.random.key(seed)
    k1, k2, k3 = jax.random.split(key, 3)
    h_t = jax.random.normal(k1, (N, D), dtype=jnp.float32)
    edge_index = jax.random.randint(k2, (2, E), 0, N, dtype=jnp.int64)
    # xavier_uniform for att [H, 2*D]: fan_in=2*D, fan_out=H
    bound = float(np.sqrt(6.0 / (H + 2 * D)))
    att = jax.random.uniform(k3, (H, 2 * D), dtype=jnp.float32, minval=-bound, maxval=bound)
    return {"h_t": h_t, "edge_index": edge_index, "att": att}


def reference(h_t, edge_index, att):
    n, d = h_t.shape
    heads = att.shape[0]
    src = edge_index[0]
    dst = edge_index[1]
    h_i = h_t[dst]  # [E, d]
    h_j = h_t[src]  # [E, d]
    # einsum('ehd,hd->eh', cat([h_i, h_j]), att) == h_i @ att[:, :d].T + h_j @ att[:, d:].T
    att_i = att[:, :d]
    att_j = att[:, d:]
    e = h_i @ att_i.T + h_j @ att_j.T  # [E, H]
    e = jnp.where(e > 0, e, NEG_SLOPE * e)  # leaky_relu
    # segment softmax over dst (numerically stabilized, as in PyG softmax)
    e_max = jax.ops.segment_max(e, dst, num_segments=n)
    e_max = jnp.where(jnp.isfinite(e_max), e_max, 0.0)
    e_max = jax.lax.stop_gradient(e_max)
    ex = jnp.exp(e - e_max[dst])
    denom = jax.ops.segment_sum(ex, dst, num_segments=n)
    alpha = ex / (denom[dst] + 1e-16)  # [E, H]
    # dropout with p=0.0 (eval) is identity
    m = h_j[:, None, :] * alpha[:, :, None]  # [E, H, d]
    out = jax.ops.segment_sum(m, dst, num_segments=n)  # [N, H, d]
    out = jax.nn.elu(out)
    return out.reshape(n, heads * d)

if __name__ == "__main__":
    import jax
    _d = setup_inputs()
    print(jax.jit(kernel)(*tuple(_d.values())))

</pallas_src>

<mosaic_0001>
module attributes {stable_mosaic.version = 14 : i64} {
  func.func @_scores_kernel(%arg0: memref<10112x128xf32, #tpu.memory_space<vmem>>, %arg1: memref<128x16xf32, #tpu.memory_space<vmem>>, %arg2: memref<10112x16xf32, #tpu.memory_space<vmem>>) attributes {dimension_semantics = [], scalar_prefetch = 0 : i64, scratch_operands = 0 : i64, tpu.core_type = #tpu.core_type<tc>} {
    %get3A = arith.constant 0 : index
    %get3A_0 = arith.constant 0 : index
    %get3A_1 = vector.load %arg0[%get3A, %get3A_0] : memref<10112x128xf32, #tpu.memory_space<vmem>>, vector<10112x128xf32>
    %get3A_2 = arith.constant 0 : index
    %get3A_3 = arith.constant 0 : index
    %get3A_4 = vector.load %arg1[%get3A_2, %get3A_3] : memref<128x16xf32, #tpu.memory_space<vmem>>, vector<128x16xf32>
    %dot_general3A = arith.constant dense<0.000000e+00> : vector<10112x16xf32>
    %dot_general3A_5 = tpu.matmul %get3A_1, %get3A_4, %dot_general3A {dimension_numbers = #tpu.dot_dimension_numbers<[1], [0], [0], [1], [0, 0, 1, 1], [], []>, transpose_lhs_hint = false} : vector<10112x128xf32>, vector<128x16xf32>, vector<10112x16xf32> -> vector<10112x16xf32>
    %swap3A = arith.constant 0 : index
    %swap3A_6 = arith.constant 0 : index
    %swap3A_7 = vector.load %arg2[%swap3A, %swap3A_6] : memref<10112x16xf32, #tpu.memory_space<vmem>>, vector<10112x16xf32>
    tpu.vector_store %arg2[%swap3A, %swap3A_6], %dot_general3A_5 {strides = array<i32>} : memref<10112x16xf32, #tpu.memory_space<vmem>>, vector<10112x16xf32>,
    return
  }
}

module attributes {stable_mosaic.version = 14 : i64} {
  func.func @_gat_kernel(%arg0: i32, %arg1: memref<704xi32, #tpu.memory_space<smem>>, %arg2: memref<704xi32, #tpu.memory_space<smem>>, %arg3: memref<704xi32, #tpu.memory_space<smem>>, %arg4: memref<1x256x1xi32, #tpu.memory_space<vmem>>, %arg5: memref<1x256x1xi32, #tpu.memory_space<vmem>>, %arg6: memref<1x1x256xi32, #tpu.memory_space<vmem>>, %arg7: memref<1x256x1xf32, #tpu.memory_space<vmem>>, %arg8: memref<1x128x8xf32, #tpu.memory_space<vmem>>, %arg9: memref<10112x136xf32, #tpu.memory_space<vmem>>, %arg10: memref<1x128x1024xf32, #tpu.memory_space<vmem>>, %arg11: memref<128x1024xf32, #tpu.memory_space<vmem>>, %arg12: memref<128x8xf32, #tpu.memory_space<vmem>>) attributes {dimension_semantics = [#tpu.dimension_semantics<arbitrary>], iteration_bounds = array<i64: 704>, scalar_prefetch = 3 : i64, scratch_operands = 2 : i64, tpu.core_type = #tpu.core_type<tc>, window_params = [{transform_indices = @transform_0, window_bounds = array<i64: 1, 256, 1>}, {transform_indices = @transform_1, window_bounds = array<i64: 1, 256, 1>}, {transform_indices = @transform_2, window_bounds = array<i64: 1, 1, 256>}, {transform_indices = @transform_3, window_bounds = array<i64: 1, 256, 1>}, {transform_indices = @transform_4, window_bounds = array<i64: 1, 128, 8>}, {pipeline_mode = #tpu.pipeline_mode<synchronous>, transform_indices = @transform_5, window_bounds = array<i64: 10112, 136>}, {transform_indices = @transform_6, window_bounds = array<i64: 1, 128, 1024>}]} {
    %get3A = arith.index_cast %arg0 : i32 to index
    %get3A_0 = memref.load %arg2[%get3A] : memref<704xi32, #tpu.memory_space<smem>>
    %eq3A = arith.constant 1 : i32
    %eq3A_1 = arith.cmpi eq, %get3A_0, %eq3A : i32
    %convert_element_type3A = arith.extui %eq3A_1 : i1 to i32
    %cond3A = arith.constant 0 : i32
    %cond3A_2 = arith.cmpi ne, %convert_element_type3A, %cond3A : i32
    scf.if %cond3A_2 {
      %broadcast_in_dim3A = arith.constant 0.000000e+00 : f32
      %broadcast_in_dim3A_166 = vector.broadcast %broadcast_in_dim3A : f32 to vector<128x1024xf32>
      %swap3A_167 = arith.constant 0 : index
      %swap3A_168 = arith.constant 0 : index
      %swap3A_169 = vector.load %arg11[%swap3A_167, %swap3A_168] : memref<128x1024xf32, #tpu.memory_space<vmem>>, vector<128x1024xf32>
      tpu.vector_store %arg11[%swap3A_167, %swap3A_168], %broadcast_in_dim3A_166 {strides = array<i32>} : memref<128x1024xf32, #tpu.memory_space<vmem>>, vector<128x1024xf32>,
      %broadcast_in_dim3A_170 = arith.constant 0.000000e+00 : f32
      %broadcast_in_dim3A_171 = vector.broadcast %broadcast_in_dim3A_170 : f32 to vector<128x8xf32>
      %swap3A_172 = arith.constant 0 : index
      %swap3A_173 = arith.constant 0 : index
      %swap3A_174 = vector.load %arg12[%swap3A_172, %swap3A_173] : memref<128x8xf32, #tpu.memory_space<vmem>>, vector<128x8xf32>
      tpu.vector_store %arg12[%swap3A_172, %swap3A_173], %broadcast_in_dim3A_171 {strides = array<i32>} : memref<128x8xf32, #tpu.memory_space<vmem>>, vector<128x8xf32>,
    } else {
    }
    %get3A_3 = arith.constant 0 : index
    %get3A_4 = arith.constant 0 : index
    %get3A_5 = arith.constant 0 : index
    %get3A_6 = vector.load %arg4[%get3A_3, %get3A_4, %get3A_5] : memref<1x256x1xi32, #tpu.memory_space<vmem>>, vector<1x256x1xi32>
    %get3A_7 = vector.shape_cast %get3A_6 : vector<1x256x1xi32> to vector<256x1xi32>
    %get3A_8 = arith.constant 0 : index
    %get3A_9 = arith.constant 0 : index
    %get3A_10 = arith.constant 0 : index
    %get3A_11 = vector.load %arg5[%get3A_8, %get3A_9, %get3A_10] : memref<1x256x1xi32, #tpu.memory_space<vmem>>, vector<1x256x1xi32>
    %get3A_12 = vector.shape_cast %get3A_11 : vector<1x256x1xi32> to vector<256x1xi32>
    %get3A_13 = arith.constant 0 : index
    %get3A_14 = arith.constant 0 : index
    %get3A_15 = arith.constant 0 : index
    %get3A_16 = vector.load %arg6[%get3A_13, %get3A_14, %get3A_15] : memref<1x1x256xi32, #tpu.memory_space<vmem>>, vector<1x1x256xi32>
    %get3A_17 = vector.shape_cast %get3A_16 : vector<1x1x256xi32> to vector<1x256xi32>
    %get3A_18 = arith.constant 0 : index
    %get3A_19 = arith.constant 0 : index
    %get3A_20 = arith.constant 0 : index
    %get3A_21 = vector.load %arg7[%get3A_18, %get3A_19, %get3A_20] : memref<1x256x1xf32, #tpu.memory_space<vmem>>, vector<1x256x1xf32>
    %get3A_22 = vector.shape_cast %get3A_21 : vector<1x256x1xf32> to vector<256x1xf32>
    %iota3A = tpu.iota {dimensions = array<i32: 1>} : vector<256x10112xi32>
    %eq3A_23 = vector.broadcast %get3A_7 : vector<256x1xi32> to vector<256x10112xi32>
    %eq3A_24 = arith.cmpi eq, %eq3A_23, %iota3A : vector<256x10112xi32>
    %convert_element_type3A_25 = arith.extui %eq3A_24 : vector<256x10112xi1> to vector<256x10112xi32>
    %convert_element_type3A_26 = arith.sitofp %convert_element_type3A_25 : vector<256x10112xi32> to vector<256x10112xf32>
    %get3A_27 = arith.constant 0 : index
    %get3A_28 = arith.constant 0 : index
    %get3A_29 = vector.load %arg9[%get3A_27, %get3A_28] : memref<10112x136xf32, #tpu.memory_space<vmem>>, vector<10112x136xf32>
    %dot_general3A = arith.constant dense<0.000000e+00> : vector<256x136xf32>
    %dot_general3A_30 = tpu.matmul %convert_element_type3A_26, %get3A_29, %dot_general3A {dimension_numbers = #tpu.dot_dimension_numbers<[1], [0], [0], [1], [0, 0, 1, 1], [], []>, transpose_lhs_hint = false} : vector<256x10112xf32>, vector<10112x136xf32>, vector<256x136xf32> -> vector<256x136xf32>
    %slice3A = vector.extract_strided_slice %dot_general3A_30 {offsets = [0, 0], sizes = [256, 128], strides = [1, 1]} : vector<256x136xf32> to vector<256x128xf32>
    %slice3A_31 = vector.extract_strided_slice %dot_general3A_30 {offsets = [0, 128], sizes = [256, 8], strides = [1, 1]} : vector<256x136xf32> to vector<256x8xf32>
    %iota3A_32 = tpu.iota {dimensions = array<i32: 1>} : vector<256x128xi32>
    %eq3A_33 = vector.broadcast %get3A_12 : vector<256x1xi32> to vector<256x128xi32>
    %eq3A_34 = arith.cmpi eq, %eq3A_33, %iota3A_32 : vector<256x128xi32>
    %convert_element_type3A_35 = arith.extui %eq3A_34 : vector<256x128xi1> to vector<256x128xi32>
    %convert_element_type3A_36 = arith.sitofp %convert_element_type3A_35 : vector<256x128xi32> to vector<256x128xf32>
    %get3A_37 = arith.constant 0 : index
    %get3A_38 = arith.constant 0 : index
    %get3A_39 = arith.constant 0 : index
    %get3A_40 = vector.load %arg8[%get3A_37, %get3A_38, %get3A_39] : memref<1x128x8xf32, #tpu.memory_space<vmem>>, vector<1x128x8xf32>
    %get3A_41 = vector.shape_cast %get3A_40 : vector<1x128x8xf32> to vector<128x8xf32>
    %dot_general3A_42 = arith.constant dense<0.000000e+00> : vector<256x8xf32>
    %dot_general3A_43 = tpu.matmul %convert_element_type3A_36, %get3A_41, %dot_general3A_42 {dimension_numbers = #tpu.dot_dimension_numbers<[1], [0], [0], [1], [0, 0, 1, 1], [], []>, transpose_lhs_hint = false} : vector<256x128xf32>, vector<128x8xf32>, vector<256x8xf32> -> vector<256x8xf32>
    %add3A = arith.addf %dot_general3A_43, %slice3A_31 : vector<256x8xf32>
    %gt3A = arith.constant 0.000000e+00 : f32
    %gt3A_44 = vector.broadcast %gt3A : f32 to vector<256x8xf32>
    %gt3A_45 = arith.cmpf ogt, %add3A, %gt3A_44 : vector<256x8xf32>
    %mul3A = arith.constant 2.000000e-01 : f32
    %mul3A_46 = vector.broadcast %mul3A : f32 to vector<256x8xf32>
    %mul3A_47 = arith.mulf %mul3A_46, %add3A : vector<256x8xf32>
    %select_n3A = arith.select %gt3A_45, %add3A, %mul3A_47 : vector<256x8xi1>, vector<256x8xf32>
    %exp3A = math.exp %select_n3A : vector<256x8xf32>
    %mul3A_48 = vector.broadcast %get3A_22 : vector<256x1xf32> to vector<256x8xf32>
    %mul3A_49 = arith.mulf %exp3A, %mul3A_48 : vector<256x8xf32>
    %iota3A_50 = tpu.iota {dimensions = array<i32: 0>} : vector<128x256xi32>
    %eq3A_51 = vector.broadcast %get3A_17 : vector<1x256xi32> to vector<128x256xi32>
    %eq3A_52 = arith.cmpi eq, %iota3A_50, %eq3A_51 : vector<128x256xi32>
    %convert_element_type3A_53 = arith.extui %eq3A_52 : vector<128x256xi1> to vector<128x256xi32>
    %convert_element_type3A_54 = arith.sitofp %convert_element_type3A_53 : vector<128x256xi32> to vector<128x256xf32>
    %get3A_55 = arith.constant 0 : index
    %get3A_56 = arith.constant 0 : index
    %get3A_57 = vector.load %arg12[%get3A_55, %get3A_56] : memref<128x8xf32, #tpu.memory_space<vmem>>, vector<128x8xf32>
    %dot_general3A_58 = arith.constant dense<0.000000e+00> : vector<128x8xf32>
    %dot_general3A_59 = tpu.matmul %convert_element_type3A_54, %mul3A_49, %dot_general3A_58 {dimension_numbers = #tpu.dot_dimension_numbers<[1], [0], [0], [1], [0, 0, 1, 1], [], []>, transpose_lhs_hint = false} : vector<128x256xf32>, vector<256x8xf32>, vector<128x8xf32> -> vector<128x8xf32>
    %add3A_60 = arith.addf %get3A_57, %dot_general3A_59 : vector<128x8xf32>
    %swap3A = arith.constant 0 : index
    %swap3A_61 = arith.constant 0 : index
    %swap3A_62 = vector.load %arg12[%swap3A, %swap3A_61] : memref<128x8xf32, #tpu.memory_space<vmem>>, vector<128x8xf32>
    tpu.vector_store %arg12[%swap3A, %swap3A_61], %add3A_60 {strides = array<i32>} : memref<128x8xf32, #tpu.memory_space<vmem>>, vector<128x8xf32>,
    %get3A_63 = arith.constant 0 : index
    %get3A_64 = arith.constant 0 : index
    %get3A_65 = vector.load %arg11[%get3A_63, %get3A_64] : memref<128x1024xf32, #tpu.memory_space<vmem>>, vector<128x128xf32>
    %slice3A_66 = vector.extract_strided_slice %mul3A_49 {offsets = [0, 0], sizes = [256, 1], strides = [1, 1]} : vector<256x8xf32> to vector<256x1xf32>
    %mul3A_67 = vector.broadcast %slice3A_66 : vector<256x1xf32> to vector<256x128xf32>
    %mul3A_68 = arith.mulf %mul3A_67, %slice3A : vector<256x128xf32>
    %dot_general3A_69 = arith.constant dense<0.000000e+00> : vector<128x128xf32>
    %dot_general3A_70 = tpu.matmul %convert_element_type3A_54, %mul3A_68, %dot_general3A_69 {dimension_numbers = #tpu.dot_dimension_numbers<[1], [0], [0], [1], [0, 0, 1, 1], [], []>, transpose_lhs_hint = false} : vector<128x256xf32>, vector<256x128xf32>, vector<128x128xf32> -> vector<128x128xf32>
    %add3A_71 = arith.addf %get3A_65, %dot_general3A_70 : vector<128x128xf32>
    %swap3A_72 = arith.constant 0 : index
    %swap3A_73 = arith.constant 0 : index
    %swap3A_74 = vector.load %arg11[%swap3A_72, %swap3A_73] : memref<128x1024xf32, #tpu.memory_space<vmem>>, vector<128x128xf32>
    tpu.vector_store %arg11[%swap3A_72, %swap3A_73], %add3A_71 {strides = array<i32>} : memref<128x1024xf32, #tpu.memory_space<vmem>>, vector<128x128xf32>,
    %get3A_75 = arith.constant 0 : index
    %get3A_76 = arith.constant 128 : index
    %get3A_77 = vector.load %arg11[%get3A_75, %get3A_76] : memref<128x1024xf32, #tpu.memory_space<vmem>>, vector<128x128xf32>
    %slice3A_78 = vector.extract_strided_slice %mul3A_49 {offsets = [0, 1], sizes = [256, 1], strides = [1, 1]} : vector<256x8xf32> to vector<256x1xf32>
    %mul3A_79 = vector.broadcast %slice3A_78 : vector<256x1xf32> to vector<256x128xf32>
    %mul3A_80 = arith.mulf %mul3A_79, %slice3A : vector<256x128xf32>
    %dot_general3A_81 = arith.constant dense<0.000000e+00> : vector<128x128xf32>
    %dot_general3A_82 = tpu.matmul %convert_element_type3A_54, %mul3A_80, %dot_general3A_81 {dimension_numbers = #tpu.dot_dimension_numbers<[1], [0], [0], [1], [0, 0, 1, 1], [], []>, transpose_lhs_hint = false} : vector<128x256xf32>, vector<256x128xf32>, vector<128x128xf32> -> vector<128x128xf32>
    %add3A_83 = arith.addf %get3A_77, %dot_general3A_82 : vector<128x128xf32>
    %swap3A_84 = arith.constant 0 : index
    %swap3A_85 = arith.constant 128 : index
    %swap3A_86 = vector.load %arg11[%swap3A_84, %swap3A_85] : memref<128x1024xf32, #tpu.memory_space<vmem>>, vector<128x128xf32>
    tpu.vector_store %arg11[%swap3A_84, %swap3A_85], %add3A_83 {strides = array<i32>} : memref<128x1024xf32, #tpu.memory_space<vmem>>, vector<128x128xf32>,
    %get3A_87 = arith.constant 0 : index
    %get3A_88 = arith.constant 256 : index
    %get3A_89 = vector.load %arg11[%get3A_87, %get3A_88] : memref<128x1024xf32, #tpu.memory_space<vmem>>, vector<128x128xf32>
    %slice3A_90 = vector.extract_strided_slice %mul3A_49 {offsets = [0, 2], sizes = [256, 1], strides = [1, 1]} : vector<256x8xf32> to vector<256x1xf32>
    %mul3A_91 = vector.broadcast %slice3A_90 : vector<256x1xf32> to vector<256x128xf32>
    %mul3A_92 = arith.mulf %mul3A_91, %slice3A : vector<256x128xf32>
    %dot_general3A_93 = arith.constant dense<0.000000e+00> : vector<128x128xf32>
    %dot_general3A_94 = tpu.matmul %convert_element_type3A_54, %mul3A_92, %dot_general3A_93 {dimension_numbers = #tpu.dot_dimension_numbers<[1], [0], [0], [1], [0, 0, 1, 1], [], []>, transpose_lhs_hint = false} : vector<128x256xf32>, vector<256x128xf32>, vector<128x128xf32> -> vector<128x128xf32>
    %add3A_95 = arith.addf %get3A_89, %dot_general3A_94 : vector<128x128xf32>
    %swap3A_96 = arith.constant 0 : index
    %swap3A_97 = arith.constant 256 : index
    %swap3A_98 = vector.load %arg11[%swap3A_96, %swap3A_97] : memref<128x1024xf32, #tpu.memory_space<vmem>>, vector<128x128xf32>
    tpu.vector_store %arg11[%swap3A_96, %swap3A_97], %add3A_95 {strides = array<i32>} : memref<128x1024xf32, #tpu.memory_space<vmem>>, vector<128x128xf32>,
    %get3A_99 = arith.constant 0 : index
    %get3A_100 = arith.constant 384 : index
    %get3A_101 = vector.load %arg11[%get3A_99, %get3A_100] : memref<128x1024xf32, #tpu.memory_space<vmem>>, vector<128x128xf32>
    %slice3A_102 = vector.extract_strided_slice %mul3A_49 {offsets = [0, 3], sizes = [256, 1], strides = [1, 1]} : vector<256x8xf32> to vector<256x1xf32>
    %mul3A_103 = vector.broadcast %slice3A_102 : vector<256x1xf32> to vector<256x128xf32>
    %mul3A_104 = arith.mulf %mul3A_103, %slice3A : vector<256x128xf32>
    %dot_general3A_105 = arith.constant dense<0.000000e+00> : vector<128x128xf32>
    %dot_general3A_106 = tpu.matmul %convert_element_type3A_54, %mul3A_104, %dot_general3A_105 {dimension_numbers = #tpu.dot_dimension_numbers<[1], [0], [0], [1], [0, 0, 1, 1], [], []>, transpose_lhs_hint = false} : vector<128x256xf32>, vector<256x128xf32>, vector<128x128xf32> -> vector<128x128xf32>
    %add3A_107 = arith.addf %get3A_101, %dot_general3A_106 : vector<128x128xf32>
    %swap3A_108 = arith.constant 0 : index
    %swap3A_109 = arith.constant 384 : index
    %swap3A_110 = vector.load %arg11[%swap3A_108, %swap3A_109] : memref<128x1024xf32, #tpu.memory_space<vmem>>, vector<128x128xf32>
    tpu.vector_store %arg11[%swap3A_108, %swap3A_109], %add3A_107 {strides = array<i32>} : memref<128x1024xf32, #tpu.memory_space<vmem>>, vector<128x128xf32>,
    %get3A_111 = arith.constant 0 : index
    %get3A_112 = arith.constant 512 : index
    %get3A_113 = vector.load %arg11[%get3A_111, %get3A_112] : memref<128x1024xf32, #tpu.memory_space<vmem>>, vector<128x128xf32>
    %slice3A_114 = vector.extract_strided_slice %mul3A_49 {offsets = [0, 4], sizes = [256, 1], strides = [1, 1]} : vector<256x8xf32> to vector<256x1xf32>
    %mul3A_115 = vector.broadcast %slice3A_114 : vector<256x1xf32> to vector<256x128xf32>
    %mul3A_116 = arith.mulf %mul3A_115, %slice3A : vector<256x128xf32>
    %dot_general3A_117 = arith.constant dense<0.000000e+00> : vector<128x128xf32>
    %dot_general3A_118 = tpu.matmul %convert_element_type3A_54, %mul3A_116, %dot_general3A_117 {dimension_numbers = #tpu.dot_dimension_numbers<[1], [0], [0], [1], [0, 0, 1, 1], [], []>, transpose_lhs_hint = false} : vector<128x256xf32>, vector<256x128xf32>, vector<128x128xf32> -> vector<128x128xf32>
    %add3A_119 = arith.addf %get3A_113, %dot_general3A_118 : vector<128x128xf32>
    %swap3A_120 = arith.constant 0 : index
    %swap3A_121 = arith.constant 512 : index
    %swap3A_122 = vector.load %arg11[%swap3A_120, %swap3A_121] : memref<128x1024xf32, #tpu.memory_space<vmem>>, vector<128x128xf32>
    tpu.vector_store %arg11[%swap3A_120, %swap3A_121], %add3A_119 {strides = array<i32>} : memref<128x1024xf32, #tpu.memory_space<vmem>>, vector<128x128xf32>,
    %get3A_123 = arith.constant 0 : index
    %get3A_124 = arith.constant 640 : index
    %get3A_125 = vector.load %arg11[%get3A_123, %get3A_124] : memref<128x1024xf32, #tpu.memory_space<vmem>>, vector<128x128xf32>
    %slice3A_126 = vector.extract_strided_slice %mul3A_49 {offsets = [0, 5], sizes = [256, 1], strides = [1, 1]} : vector<256x8xf32> to vector<256x1xf32>
    %mul3A_127 = vector.broadcast %slice3A_126 : vector<256x1xf32> to vector<256x128xf32>
    %mul3A_128 = arith.mulf %mul3A_127, %slice3A : vector<256x128xf32>
    %dot_general3A_129 = arith.constant dense<0.000000e+00> : vector<128x128xf32>
    %dot_general3A_130 = tpu.matmul %convert_element_type3A_54, %mul3A_128, %dot_general3A_129 {dimension_numbers = #tpu.dot_dimension_numbers<[1], [0], [0], [1], [0, 0, 1, 1], [], []>, transpose_lhs_hint = false} : vector<128x256xf32>, vector<256x128xf32>, vector<128x128xf32> -> vector<128x128xf32>
    %add3A_131 = arith.addf %get3A_125, %dot_general3A_130 : vector<128x128xf32>
    %swap3A_132 = arith.constant 0 : index
    %swap3A_133 = arith.constant 640 : index
    %swap3A_134 = vector.load %arg11[%swap3A_132, %swap3A_133] : memref<128x1024xf32, #tpu.memory_space<vmem>>, vector<128x128xf32>
    tpu.vector_store %arg11[%swap3A_132, %swap3A_133], %add3A_131 {strides = array<i32>} : memref<128x1024xf32, #tpu.memory_space<vmem>>, vector<128x128xf32>,
    %get3A_135 = arith.constant 0 : index
    %get3A_136 = arith.constant 768 : index
    %get3A_137 = vector.load %arg11[%get3A_135, %get3A_136] : memref<128x1024xf32, #tpu.memory_space<vmem>>, vector<128x128xf32>
    %slice3A_138 = vector.extract_strided_slice %mul3A_49 {offsets = [0, 6], sizes = [256, 1], strides = [1, 1]} : vector<256x8xf32> to vector<256x1xf32>
    %mul3A_139 = vector.broadcast %slice3A_138 : vector<256x1xf32> to vector<256x128xf32>
    %mul3A_140 = arith.mulf %mul3A_139, %slice3A : vector<256x128xf32>
    %dot_general3A_141 = arith.constant dense<0.000000e+00> : vector<128x128xf32>
    %dot_general3A_142 = tpu.matmul %convert_element_type3A_54, %mul3A_140, %dot_general3A_141 {dimension_numbers = #tpu.dot_dimension_numbers<[1], [0], [0], [1], [0, 0, 1, 1], [], []>, transpose_lhs_hint = false} : vector<128x256xf32>, vector<256x128xf32>, vector<128x128xf32> -> vector<128x128xf32>
    %add3A_143 = arith.addf %get3A_137, %dot_general3A_142 : vector<128x128xf32>
    %swap3A_144 = arith.constant 0 : index
    %swap3A_145 = arith.constant 768 : index
    %swap3A_146 = vector.load %arg11[%swap3A_144, %swap3A_145] : memref<128x1024xf32, #tpu.memory_space<vmem>>, vector<128x128xf32>
    tpu.vector_store %arg11[%swap3A_144, %swap3A_145], %add3A_143 {strides = array<i32>} : memref<128x1024xf32, #tpu.memory_space<vmem>>, vector<128x128xf32>,
    %get3A_147 = arith.constant 0 : index
    %get3A_148 = arith.constant 896 : index
    %get3A_149 = vector.load %arg11[%get3A_147, %get3A_148] : memref<128x1024xf32, #tpu.memory_space<vmem>>, vector<128x128xf32>
    %slice3A_150 = vector.extract_strided_slice %mul3A_49 {offsets = [0, 7], sizes = [256, 1], strides = [1, 1]} : vector<256x8xf32> to vector<256x1xf32>
    %mul3A_151 = vector.broadcast %slice3A_150 : vector<256x1xf32> to vector<256x128xf32>
    %mul3A_152 = arith.mulf %mul3A_151, %slice3A : vector<256x128xf32>
    %dot_general3A_153 = arith.constant dense<0.000000e+00> : vector<128x128xf32>
    %dot_general3A_154 = tpu.matmul %convert_element_type3A_54, %mul3A_152, %dot_general3A_153 {dimension_numbers = #tpu.dot_dimension_numbers<[1], [0], [0], [1], [0, 0, 1, 1], [], []>, transpose_lhs_hint = false} : vector<128x256xf32>, vector<256x128xf32>, vector<128x128xf32> -> vector<128x128xf32>
    %add3A_155 = arith.addf %get3A_149, %dot_general3A_154 : vector<128x128xf32>
    %swap3A_156 = arith.constant 0 : index
    %swap3A_157 = arith.constant 896 : index
    %swap3A_158 = vector.load %arg11[%swap3A_156, %swap3A_157] : memref<128x1024xf32, #tpu.memory_space<vmem>>, vector<128x128xf32>
    tpu.vector_store %arg11[%swap3A_156, %swap3A_157], %add3A_155 {strides = array<i32>} : memref<128x1024xf32, #tpu.memory_space<vmem>>, vector<128x128xf32>,
    %get3A_159 = arith.index_cast %arg0 : i32 to index
    %get3A_160 = memref.load %arg3[%get3A_159] : memref<704xi32, #tpu.memory_space<smem>>
    %eq3A_161 = arith.constant 1 : i32
    %eq3A_162 = arith.cmpi eq, %get3A_160, %eq3A_161 : i32
    %convert_element_type3A_163 = arith.extui %eq3A_162 : i1 to i32
    %cond3A_164 = arith.constant 0 : i32
    %cond3A_165 = arith.cmpi ne, %convert_element_type3A_163, %cond3A_164 : i32
    scf.if %cond3A_165 {
      %get3A_166 = arith.constant 0 : index
      %get3A_167 = arith.constant 0 : index
      %get3A_168 = vector.load %arg12[%get3A_166, %get3A_167] : memref<128x8xf32, #tpu.memory_space<vmem>>, vector<128x8xf32>
      %get3A_169 = arith.constant 0 : index
      %get3A_170 = arith.constant 0 : index
      %get3A_171 = vector.load %arg11[%get3A_169, %get3A_170] : memref<128x1024xf32, #tpu.memory_space<vmem>>, vector<128x128xf32>
      %slice3A_172 = vector.extract_strided_slice %get3A_168 {offsets = [0, 0], sizes = [128, 1], strides = [1, 1]} : vector<128x8xf32> to vector<128x1xf32>
      %add3A_173 = arith.constant 1.000000e-16 : f32
      %add3A_174 = vector.broadcast %add3A_173 : f32 to vector<128x1xf32>
      %add3A_175 = arith.addf %slice3A_172, %add3A_174 : vector<128x1xf32>
      %div3A = vector.broadcast %add3A_175 : vector<128x1xf32> to vector<128x128xf32>
      %div3A_176 = arith.divf %get3A_171, %div3A : vector<128x128xf32>
      %gt3A_177 = arith.constant 0.000000e+00 : f32
      %gt3A_178 = vector.broadcast %gt3A_177 : f32 to vector<128x128xf32>
      %gt3A_179 = arith.cmpf ogt, %div3A_176, %gt3A_178 : vector<128x128xf32>
      %exp3A_180 = math.exp %div3A_176 : vector<128x128xf32>
      %sub3A = arith.constant 1.000000e+00 : f32
      %sub3A_181 = vector.broadcast %sub3A : f32 to vector<128x128xf32>
      %sub3A_182 = arith.subf %exp3A_180, %sub3A_181 : vector<128x128xf32>
      %select_n3A_183 = arith.select %gt3A_179, %div3A_176, %sub3A_182 : vector<128x128xi1>, vector<128x128xf32>
      %swap3A_184 = arith.constant 0 : index
      %swap3A_185 = arith.constant 0 : index
      %swap3A_186 = arith.constant 0 : index
      %swap3A_187 = vector.load %arg10[%swap3A_184, %swap3A_185, %swap3A_186] : memref<1x128x1024xf32, #tpu.memory_space<vmem>>, vector<1x128x128xf32>
      %swap3A_188 = vector.shape_cast %swap3A_187 : vector<1x128x128xf32> to vector<128x128xf32>
      %swap3A_189 = vector.shape_cast %select_n3A_183 : vector<128x128xf32> to vector<1x128x128xf32>
      tpu.vector_store %arg10[%swap3A_184, %swap3A_185, %swap3A_186], %swap3A_189 {strides = array<i32>} : memref<1x128x1024xf32, #tpu.memory_space<vmem>>, vector<1x128x128xf32>,
      %get3A_190 = arith.constant 0 : index
      %get3A_191 = arith.constant 128 : index
      %get3A_192 = vector.load %arg11[%get3A_190, %get3A_191] : memref<128x1024xf32, #tpu.memory_space<vmem>>, vector<128x128xf32>
      %slice3A_193 = vector.extract_strided_slice %get3A_168 {offsets = [0, 1], sizes = [128, 1], strides = [1, 1]} : vector<128x8xf32> to vector<128x1xf32>
      %add3A_194 = arith.constant 1.000000e-16 : f32
      %add3A_195 = vector.broadcast %add3A_194 : f32 to vector<128x1xf32>
      %add3A_196 = arith.addf %slice3A_193, %add3A_195 : vector<128x1xf32>
      %div3A_197 = vector.broadcast %add3A_196 : vector<128x1xf32> to vector<128x128xf32>
      %div3A_198 = arith.divf %get3A_192, %div3A_197 : vector<128x128xf32>
      %gt3A_199 = arith.constant 0.000000e+00 : f32
      %gt3A_200 = vector.broadcast %gt3A_199 : f32 to vector<128x128xf32>
      %gt3A_201 = arith.cmpf ogt, %div3A_198, %gt3A_200 : vector<128x128xf32>
      %exp3A_202 = math.exp %div3A_198 : vector<128x128xf32>
      %sub3A_203 = arith.constant 1.000000e+00 : f32
      %sub3A_204 = vector.broadcast %sub3A_203 : f32 to vector<128x128xf32>
      %sub3A_205 = arith.subf %exp3A_202, %sub3A_204 : vector<128x128xf32>
      %select_n3A_206 = arith.select %gt3A_201, %div3A_198, %sub3A_205 : vector<128x128xi1>, vector<128x128xf32>
      %swap3A_207 = arith.constant 0 : index
      %swap3A_208 = arith.constant 0 : index
      %swap3A_209 = arith.constant 128 : index
      %swap3A_210 = vector.load %arg10[%swap3A_207, %swap3A_208, %swap3A_209] : memref<1x128x1024xf32, #tpu.memory_space<vmem>>, vector<1x128x128xf32>
      %swap3A_211 = vector.shape_cast %swap3A_210 : vector<1x128x128xf32> to vector<128x128xf32>
      %swap3A_212 = vector.shape_cast %select_n3A_206 : vector<128x128xf32> to vector<1x128x128xf32>
      tpu.vector_store %arg10[%swap3A_207, %swap3A_208, %swap3A_209], %swap3A_212 {strides = array<i32>} : memref<1x128x1024xf32, #tpu.memory_space<vmem>>, vector<1x128x128xf32>,
      %get3A_213 = arith.constant 0 : index
      %get3A_214 = arith.constant 256 : index
      %get3A_215 = vector.load %arg11[%get3A_213, %get3A_214] : memref<128x1024xf32, #tpu.memory_space<vmem>>, vector<128x128xf32>
      %slice3A_216 = vector.extract_strided_slice %get3A_168 {offsets = [0, 2], sizes = [128, 1], strides = [1, 1]} : vector<128x8xf32> to vector<128x1xf32>
      %add3A_217 = arith.constant 1.000000e-16 : f32
      %add3A_218 = vector.broadcast %add3A_217 : f32 to vector<128x1xf32>
      %add3A_219 = arith.addf %slice3A_216, %add3A_218 : vector<128x1xf32>
      %div3A_220 = vector.broadcast %add3A_219 : vector<128x1xf32> to vector<128x128xf32>
      %div3A_221 = arith.divf %get3A_215, %div3A_220 : vector<128x128xf32>
      %gt3A_222 = arith.constant 0.000000e+00 : f32
      %gt3A_223 = vector.broadcast %gt3A_222 : f32 to vector<128x128xf32>
      %gt3A_224 = arith.cmpf ogt, %div3A_221, %gt3A_223 : vector<128x128xf32>
      %exp3A_225 = math.exp %div3A_221 : vector<128x128xf32>
      %sub3A_226 = arith.constant 1.000000e+00 : f32
      %sub3A_227 = vector.broadcast %sub3A_226 : f32 to vector<128x128xf32>
      %sub3A_228 = arith.subf %exp3A_225, %sub3A_227 : vector<128x128xf32>
      %select_n3A_229 = arith.select %gt3A_224, %div3A_221, %sub3A_228 : vector<128x128xi1>, vector<128x128xf32>
      %swap3A_230 = arith.constant 0 : index
      %swap3A_231 = arith.constant 0 : index
      %swap3A_232 = arith.constant 256 : index
      %swap3A_233 = vector.load %arg10[%swap3A_230, %swap3A_231, %swap3A_232] : memref<1x128x1024xf32, #tpu.memory_space<vmem>>, vector<1x128x128xf32>
      %swap3A_234 = vector.shape_cast %swap3A_233 : vector<1x128x128xf32> to vector<128x128xf32>
      %swap3A_235 = vector.shape_cast %select_n3A_229 : vector<128x128xf32> to vector<1x128x128xf32>
      tpu.vector_store %arg10[%swap3A_230, %swap3A_231, %swap3A_232], %swap3A_235 {strides = array<i32>} : memref<1x128x1024xf32, #tpu.memory_space<vmem>>, vector<1x128x128xf32>,
      %get3A_236 = arith.constant 0 : index
      %get3A_237 = arith.constant 384 : index
      %get3A_238 = vector.load %arg11[%get3A_236, %get3A_237] : memref<128x1024xf32, #tpu.memory_space<vmem>>, vector<128x128xf32>
      %slice3A_239 = vector.extract_strided_slice %get3A_168 {offsets = [0, 3], sizes = [128, 1], strides = [1, 1]} : vector<128x8xf32> to vector<128x1xf32>
      %add3A_240 = arith.constant 1.000000e-16 : f32
      %add3A_241 = vector.broadcast %add3A_240 : f32 to vector<128x1xf32>
      %add3A_242 = arith.addf %slice3A_239, %add3A_241 : vector<128x1xf32>
      %div3A_243 = vector.broadcast %add3A_242 : vector<128x1xf32> to vector<128x128xf32>
      %div3A_244 = arith.divf %get3A_238, %div3A_243 : vector<128x128xf32>
      %gt3A_245 = arith.constant 0.000000e+00 : f32
      %gt3A_246 = vector.broadcast %gt3A_245 : f32 to vector<128x128xf32>
      %gt3A_247 = arith.cmpf ogt, %div3A_244, %gt3A_246 : vector<128x128xf32>
      %exp3A_248 = math.exp %div3A_244 : vector<128x128xf32>
      %sub3A_249 = arith.constant 1.000000e+00 : f32
      %sub3A_250 = vector.broadcast %sub3A_249 : f32 to vector<128x128xf32>
      %sub3A_251 = arith.subf %exp3A_248, %sub3A_250 : vector<128x128xf32>
      %select_n3A_252 = arith.select %gt3A_247, %div3A_244, %sub3A_251 : vector<128x128xi1>, vector<128x128xf32>
      %swap3A_253 = arith.constant 0 : index
      %swap3A_254 = arith.constant 0 : index
      %swap3A_255 = arith.constant 384 : index
      %swap3A_256 = vector.load %arg10[%swap3A_253, %swap3A_254, %swap3A_255] : memref<1x128x1024xf32, #tpu.memory_space<vmem>>, vector<1x128x128xf32>
      %swap3A_257 = vector.shape_cast %swap3A_256 : vector<1x128x128xf32> to vector<128x128xf32>
      %swap3A_258 = vector.shape_cast %select_n3A_252 : vector<128x128xf32> to vector<1x128x128xf32>
      tpu.vector_store %arg10[%swap3A_253, %swap3A_254, %swap3A_255], %swap3A_258 {strides = array<i32>} : memref<1x128x1024xf32, #tpu.memory_space<vmem>>, vector<1x128x128xf32>,
      %get3A_259 = arith.constant 0 : index
      %get3A_260 = arith.constant 512 : index
      %get3A_261 = vector.load %arg11[%get3A_259, %get3A_260] : memref<128x1024xf32, #tpu.memory_space<vmem>>, vector<128x128xf32>
      %slice3A_262 = vector.extract_strided_slice %get3A_168 {offsets = [0, 4], sizes = [128, 1], strides = [1, 1]} : vector<128x8xf32> to vector<128x1xf32>
      %add3A_263 = arith.constant 1.000000e-16 : f32
      %add3A_264 = vector.broadcast %add3A_263 : f32 to vector<128x1xf32>
      %add3A_265 = arith.addf %slice3A_262, %add3A_264 : vector<128x1xf32>
      %div3A_266 = vector.broadcast %add3A_265 : vector<128x1xf32> to vector<128x128xf32>
      %div3A_267 = arith.divf %get3A_261, %div3A_266 : vector<128x128xf32>
      %gt3A_268 = arith.constant 0.000000e+00 : f32
      %gt3A_269 = vector.broadcast %gt3A_268 : f32 to vector<128x128xf32>
      %gt3A_270 = arith.cmpf ogt, %div3A_267, %gt3A_269 : vector<128x128xf32>
      %exp3A_271 = math.exp %div3A_267 : vector<128x128xf32>
      %sub3A_272 = arith.constant 1.000000e+00 : f32
      %sub3A_273 = vector.broadcast %sub3A_272 : f32 to vector<128x128xf32>
      %sub3A_274 = arith.subf %exp3A_271, %sub3A_273 : vector<128x128xf32>
      %select_n3A_275 = arith.select %gt3A_270, %div3A_267, %sub3A_274 : vector<128x128xi1>, vector<128x128xf32>
      %swap3A_276 = arith.constant 0 : index
      %swap3A_277 = arith.constant 0 : index
      %swap3A_278 = arith.constant 512 : index
      %swap3A_279 = vector.load %arg10[%swap3A_276, %swap3A_277, %swap3A_278] : memref<1x128x1024xf32, #tpu.memory_space<vmem>>, vector<1x128x128xf32>
      %swap3A_280 = vector.shape_cast %swap3A_279 : vector<1x128x128xf32> to vector<128x128xf32>
      %swap3A_281 = vector.shape_cast %select_n3A_275 : vector<128x128xf32> to vector<1x128x128xf32>
      tpu.vector_store %arg10[%swap3A_276, %swap3A_277, %swap3A_278], %swap3A_281 {strides = array<i32>} : memref<1x128x1024xf32, #tpu.memory_space<vmem>>, vector<1x128x128xf32>,
      %get3A_282 = arith.constant 0 : index
      %get3A_283 = arith.constant 640 : index
      %get3A_284 = vector.load %arg11[%get3A_282, %get3A_283] : memref<128x1024xf32, #tpu.memory_space<vmem>>, vector<128x128xf32>
      %slice3A_285 = vector.extract_strided_slice %get3A_168 {offsets = [0, 5], sizes = [128, 1], strides = [1, 1]} : vector<128x8xf32> to vector<128x1xf32>
      %add3A_286 = arith.constant 1.000000e-16 : f32
      %add3A_287 = vector.broadcast %add3A_286 : f32 to vector<128x1xf32>
      %add3A_288 = arith.addf %slice3A_285, %add3A_287 : vector<128x1xf32>
      %div3A_289 = vector.broadcast %add3A_288 : vector<128x1xf32> to vector<128x128xf32>
      %div3A_290 = arith.divf %get3A_284, %div3A_289 : vector<128x128xf32>
      %gt3A_291 = arith.constant 0.000000e+00 : f32
      %gt3A_292 = vector.broadcast %gt3A_291 : f32 to vector<128x128xf32>
      %gt3A_293 = arith.cmpf ogt, %div3A_290, %gt3A_292 : vector<128x128xf32>
      %exp3A_294 = math.exp %div3A_290 : vector<128x128xf32>
      %sub3A_295 = arith.constant 1.000000e+00 : f32
      %sub3A_296 = vector.broadcast %sub3A_295 : f32 to vector<128x128xf32>
      %sub3A_297 = arith.subf %exp3A_294, %sub3A_296 : vector<128x128xf32>
      %select_n3A_298 = arith.select %gt3A_293, %div3A_290, %sub3A_297 : vector<128x128xi1>, vector<128x128xf32>
      %swap3A_299 = arith.constant 0 : index
      %swap3A_300 = arith.constant 0 : index
      %swap3A_301 = arith.constant 640 : index
      %swap3A_302 = vector.load %arg10[%swap3A_299, %swap3A_300, %swap3A_301] : memref<1x128x1024xf32, #tpu.memory_space<vmem>>, vector<1x128x128xf32>
      %swap3A_303 = vector.shape_cast %swap3A_302 : vector<1x128x128xf32> to vector<128x128xf32>
      %swap3A_304 = vector.shape_cast %select_n3A_298 : vector<128x128xf32> to vector<1x128x128xf32>
      tpu.vector_store %arg10[%swap3A_299, %swap3A_300, %swap3A_301], %swap3A_304 {strides = array<i32>} : memref<1x128x1024xf32, #tpu.memory_space<vmem>>, vector<1x128x128xf32>,
      %get3A_305 = arith.constant 0 : index
      %get3A_306 = arith.constant 768 : index
      %get3A_307 = vector.load %arg11[%get3A_305, %get3A_306] : memref<128x1024xf32, #tpu.memory_space<vmem>>, vector<128x128xf32>
      %slice3A_308 = vector.extract_strided_slice %get3A_168 {offsets = [0, 6], sizes = [128, 1], strides = [1, 1]} : vector<128x8xf32> to vector<128x1xf32>
      %add3A_309 = arith.constant 1.000000e-16 : f32
      %add3A_310 = vector.broadcast %add3A_309 : f32 to vector<128x1xf32>
      %add3A_311 = arith.addf %slice3A_308, %add3A_310 : vector<128x1xf32>
      %div3A_312 = vector.broadcast %add3A_311 : vector<128x1xf32> to vector<128x128xf32>
      %div3A_313 = arith.divf %get3A_307, %div3A_312 : vector<128x128xf32>
      %gt3A_314 = arith.constant 0.000000e+00 : f32
      %gt3A_315 = vector.broadcast %gt3A_314 : f32 to vector<128x128xf32>
      %gt3A_316 = arith.cmpf ogt, %div3A_313, %gt3A_315 : vector<128x128xf32>
      %exp3A_317 = math.exp %div3A_313 : vector<128x128xf32>
      %sub3A_318 = arith.constant 1.000000e+00 : f32
      %sub3A_319 = vector.broadcast %sub3A_318 : f32 to vector<128x128xf32>
      %sub3A_320 = arith.subf %exp3A_317, %sub3A_319 : vector<128x128xf32>
      %select_n3A_321 = arith.select %gt3A_316, %div3A_313, %sub3A_320 : vector<128x128xi1>, vector<128x128xf32>
      %swap3A_322 = arith.constant 0 : index
      %swap3A_323 = arith.constant 0 : index
      %swap3A_324 = arith.constant 768 : index
      %swap3A_325 = vector.load %arg10[%swap3A_322, %swap3A_323, %swap3A_324] : memref<1x128x1024xf32, #tpu.memory_space<vmem>>, vector<1x128x128xf32>
      %swap3A_326 = vector.shape_cast %swap3A_325 : vector<1x128x128xf32> to vector<128x128xf32>
      %swap3A_327 = vector.shape_cast %select_n3A_321 : vector<128x128xf32> to vector<1x128x128xf32>
      tpu.vector_store %arg10[%swap3A_322, %swap3A_323, %swap3A_324], %swap3A_327 {strides = array<i32>} : memref<1x128x1024xf32, #tpu.memory_space<vmem>>, vector<1x128x128xf32>,
      %get3A_328 = arith.constant 0 : index
      %get3A_329 = arith.constant 896 : index
      %get3A_330 = vector.load %arg11[%get3A_328, %get3A_329] : memref<128x1024xf32, #tpu.memory_space<vmem>>, vector<128x128xf32>
      %slice3A_331 = vector.extract_strided_slice %get3A_168 {offsets = [0, 7], sizes = [128, 1], strides = [1, 1]} : vector<128x8xf32> to vector<128x1xf32>
      %add3A_332 = arith.constant 1.000000e-16 : f32
      %add3A_333 = vector.broadcast %add3A_332 : f32 to vector<128x1xf32>
      %add3A_334 = arith.addf %slice3A_331, %add3A_333 : vector<128x1xf32>
      %div3A_335 = vector.broadcast %add3A_334 : vector<128x1xf32> to vector<128x128xf32>
      %div3A_336 = arith.divf %get3A_330, %div3A_335 : vector<128x128xf32>
      %gt3A_337 = arith.constant 0.000000e+00 : f32
      %gt3A_338 = vector.broadcast %gt3A_337 : f32 to vector<128x128xf32>
      %gt3A_339 = arith.cmpf ogt, %div3A_336, %gt3A_338 : vector<128x128xf32>
      %exp3A_340 = math.exp %div3A_336 : vector<128x128xf32>
      %sub3A_341 = arith.constant 1.000000e+00 : f32
      %sub3A_342 = vector.broadcast %sub3A_341 : f32 to vector<128x128xf32>
      %sub3A_343 = arith.subf %exp3A_340, %sub3A_342 : vector<128x128xf32>
      %select_n3A_344 = arith.select %gt3A_339, %div3A_336, %sub3A_343 : vector<128x128xi1>, vector<128x128xf32>
      %swap3A_345 = arith.constant 0 : index
      %swap3A_346 = arith.constant 0 : index
      %swap3A_347 = arith.constant 896 : index
      %swap3A_348 = vector.load %arg10[%swap3A_345, %swap3A_346, %swap3A_347] : memref<1x128x1024xf32, #tpu.memory_space<vmem>>, vector<1x128x128xf32>
      %swap3A_349 = vector.shape_cast %swap3A_348 : vector<1x128x128xf32> to vector<128x128xf32>
      %swap3A_350 = vector.shape_cast %select_n3A_344 : vector<128x128xf32> to vector<1x128x128xf32>
      tpu.vector_store %arg10[%swap3A_345, %swap3A_346, %swap3A_347], %swap3A_350 {strides = array<i32>} : memref<1x128x1024xf32, #tpu.memory_space<vmem>>, vector<1x128x128xf32>,
    } else {
    }
    return
  }
  func.func @transform_0(%arg0: i32, %arg1: memref<704xi32, #tpu.memory_space<smem>>, %arg2: memref<704xi32, #tpu.memory_space<smem>>, %arg3: memref<704xi32, #tpu.memory_space<smem>>) -> (i32, i32, i32) {
    %c0_i32 = arith.constant 0 : i32
    %c0_i32_0 = arith.constant 0 : i32
    %c0_i32_1 = arith.constant 0 : i32
    return %arg0, %c0_i32, %c0_i32_0 : i32, i32, i32
  }
  func.func @transform_1(%arg0: i32, %arg1: memref<704xi32, #tpu.memory_space<smem>>, %arg2: memref<704xi32, #tpu.memory_space<smem>>, %arg3: memref<704xi32, #tpu.memory_space<smem>>) -> (i32, i32, i32) {
    %c0_i32 = arith.constant 0 : i32
    %c0_i32_0 = arith.constant 0 : i32
    %c0_i32_1 = arith.constant 0 : i32
    return %arg0, %c0_i32, %c0_i32_0 : i32, i32, i32
  }
  func.func @transform_2(%arg0: i32, %arg1: memref<704xi32, #tpu.memory_space<smem>>, %arg2: memref<704xi32, #tpu.memory_space<smem>>, %arg3: memref<704xi32, #tpu.memory_space<smem>>) -> (i32, i32, i32) {
    %c0_i32 = arith.constant 0 : i32
    %c0_i32_0 = arith.constant 0 : i32
    %c0_i32_1 = arith.constant 0 : i32
    return %arg0, %c0_i32, %c0_i32_0 : i32, i32, i32
  }
  func.func @transform_3(%arg0: i32, %arg1: memref<704xi32, #tpu.memory_space<smem>>, %arg2: memref<704xi32, #tpu.memory_space<smem>>, %arg3: memref<704xi32, #tpu.memory_space<smem>>) -> (i32, i32, i32) {
    %c0_i32 = arith.constant 0 : i32
    %c0_i32_0 = arith.constant 0 : i32
    %c0_i32_1 = arith.constant 0 : i32
    return %arg0, %c0_i32, %c0_i32_0 : i32, i32, i32
  }
  func.func @transform_4(%arg0: i32, %arg1: memref<704xi32, #tpu.memory_space<smem>>, %arg2: memref<704xi32, #tpu.memory_space<smem>>, %arg3: memref<704xi32, #tpu.memory_space<smem>>) -> (i32, i32, i32) {
    %get3A = arith.index_cast %arg0 : i32 to index
    %get3A_0 = memref.load %arg1[%get3A] : memref<704xi32, #tpu.memory_space<smem>>
    %c0_i32 = arith.constant 0 : i32
    %c0_i32_1 = arith.constant 0 : i32
    %c0_i32_2 = arith.constant 0 : i32
    return %get3A_0, %c0_i32, %c0_i32_1 : i32, i32, i32
  }
  func.func @transform_5(%arg0: i32, %arg1: memref<704xi32, #tpu.memory_space<smem>>, %arg2: memref<704xi32, #tpu.memory_space<smem>>, %arg3: memref<704xi32, #tpu.memory_space<smem>>) -> (i32, i32) {
    %c0_i32 = arith.constant 0 : i32
    %c0_i32_0 = arith.constant 0 : i32
    %c0_i32_1 = arith.constant 0 : i32
    return %c0_i32, %c0_i32_0 : i32, i32
  }
  func.func @transform_6(%arg0: i32, %arg1: memref<704xi32, #tpu.memory_space<smem>>, %arg2: memref<704xi32, #tpu.memory_space<smem>>, %arg3: memref<704xi32, #tpu.memory_space<smem>>) -> (i32, i32, i32) {
    %get3A = arith.index_cast %arg0 : i32 to index
    %get3A_0 = memref.load %arg1[%get3A] : memref<704xi32, #tpu.memory_space<smem>>
    %c0_i32 = arith.constant 0 : i32
    %c0_i32_1 = arith.constant 0 : i32
    %c0_i32_2 = arith.constant 0 : i32
    return %get3A_0, %c0_i32, %c0_i32_1 : i32, i32, i32
  }
}

</mosaic_0001>

<sc_bundles>
// kernel: gather_offload_async_start.1
scs
__scs_entry_jumppad:
0x0: {  	(pc) =	sbr.rel $0x88, $3  }
0x1: {  	(tag) =	ssettag $0x0;
	lr =	simm.s32 $0x1  }
0x2: {  	[smem:$0x3F9E] =	sst lr;
	_ =	strace $0xD0000000  }
0x3: {  	_ = 	snop  }
0x4: {  	_ = 	snop  }
0x5: {  	_ = 	snop  }
0x6: {  	_ = 	snop  }
0x7: {  	_ = 	snop  }
__scs_overlays_trampoline_lowered:
0x8: {  	[smem:$0x3FAD] =	sst s0  }
0x9: {  	[smem:$0x3FAE] =	sst s1  }
0xa: {  	[smem:$0x3FAF] =	sst s2  }
0xb: {  	[smem:$0x3FB0] =	sst s3  }
0xc: {  	[smem:$0x3FB1] =	sst s4  }
0xd: {  	[smem:$0x3FB2] =	sst s5  }
0xe: {  	[smem:$0x3FB3] =	sst s6  }
0xf: {  	[smem:$0x3FB4] =	sst s7  }
0x10: {  	[smem:$0x3FB5] =	sst s8  }
0x11: {  	[smem:$0x3FB6] =	sst s9;
	s0 =	simm.s32 @!p0 $0x0  }
0x12: {  	s1 =	sld [smem:$0x3F9C];
	s0 =	simm.s32 @p0 $0x1  }
0x13: {  	[smem:$0x3FB7] =	sst s0;
	s0 =	simm.s32 @!p1 $0x0  }
0x14: {  	s2 =	sld [smem:$0x3F9B];
	s0 =	simm.s32 @p1 $0x1  }
0x15: {  	[smem:$0x3FB8] =	sst s0;
	s0 =	simm.s32 @!p2 $0x0  }
0x16: {  	s3 =	sld [smem:$0x3FDB];
	s0 =	simm.s32 @p2 $0x1  }
0x17: {  	s4 =	simm.s32 $0x1BF5;
	[smem:$0x3FBA] =	sst s0  }
0x18: {  	s0 =	sld [smem:$0x3F9D];
	_ =	swait.ge [sflag:s4], $0x0  }
0x19: {  	s7 =	sld [smem:$0x3F9E]  }
0x1a: {  	s8 =	sadd.s32 $0xFFFFE003, lr  }
0x1b: {  	s9 =	sadd.s32 $0xFFFFFEF7, lr;
	s5 =	simm.s32 $0xFFFFFFFF;
	p2 =	slt.u32 s8, $0xFFFFF086  }
0x1c: {  	p1 =	slt.u32 s9, $0xF7A;
	s5 =	simm.s32 @!p2 $0x0  }
0x1d: {  	s5 =	simm.s32 @p1 $0x1;
	p0 =	seq.s32 s7, s2  }
0x1e: {  	s7 =	smul.u32 @!p0 $0xF7A, s2;
	p2 =	seq.s32 @!p0 s5, $0x0  }
0x1f: {  	s9 =	smul.u32 $0xF7A, s1;
	s8 =	simm.s32 @!p0 $0x1BF5;
	p2 =	por !p2, p0  }
0x20: {  	[sflag:s8] =	ssyncset.s32 @!p0 $0xFFFFF086;
	s6 =	sadd.s32 @!p0 s3, s7;
	s7 =	simm.s32 @!p0 $0x108  }
0x21: {  	s3 =	sadd.s32 s3, s9;
	s6 =	sadd.s32 @!p0 $0x88, s6;
	s7 =	simm.s32 @p2 $0x1082  }
0x22: {  	[simem:s7], [sflag:s8] =	dma.local @!p0 [hbm:s6], $0xF7A  }
0x23: {  	s9 =	sor.u32 $0xD0000000, s2;
	s6 =	simm.s32 $0x108;
	_ =	swait.ge @!p0 [sflag:s8], $0x0  }
0x24: {  	s3 =	sadd.s32 $0x88, s3;
	s6 =	simm.s32 @!p1 $0x1082;
	[sflag:s4] =	ssyncset.s32 $0xFFFFF086  }
0x25: {  	[simem:s6], [sflag:s4] =	dma.local [hbm:s3], $0xF7A  }
0x26: {  	[smem:$0x3F9E] =	sst s1;
	(tag) =	ssettag s2;
	_ =	strace s9  }
0x27: {  	s1 =	sld [smem:$0x3FAE]  }
0x28: {  	s2 =	sld [smem:$0x3FAF]  }
0x29: {  	s4 =	sld [smem:$0x3FB1]  }
0x2a: {  	p0 =	seq.s32 s5, $0x0;
	s5 =	sld [smem:$0x3FB2]  }
0x2b: {  	s6 =	sld [smem:$0x3FB3]  }
0x2c: {  	s7 =	sld [smem:$0x3FB4]  }
0x2d: {  	s3 =	simm.s32 $0x108;
	s8 =	sld [smem:$0x3FB5]  }
0x2e: {  	s3 =	simm.s32 @!p0 $0x1082;
	s9 =	sld [smem:$0x3FB6]  }
0x2f: {  	lr =	sadd.s32 s0, s3;
	s0 =	sld [smem:$0x3FAD]  }
0x30: {  	s3 =	sld [smem:$0x3FB0]  }
0x31: {  	[smem:$0x3FB9] =	sst s10  }
0x32: {  	s10 =	sld [smem:$0x3FB7];
	_ =	sdelay $0x3  }
0x33: {  	p0 =	seq.s32 s10, $0x1;
	s10 =	sld [smem:$0x3FB9];
	_ =	sdelay $0x3  }
0x34: {  	[smem:$0x3FB9] =	sst s10  }
0x35: {  	s10 =	sld [smem:$0x3FB8];
	_ =	sdelay $0x3  }
0x36: {  	p1 =	seq.s32 s10, $0x1;
	s10 =	sld [smem:$0x3FB9];
	_ =	sdelay $0x3  }
0x37: {  	[smem:$0x3FB9] =	sst s10  }
0x38: {  	s10 =	sld [smem:$0x3FBA]  }
0x39: {  	_ = 	snop;
	(pc) =	sbr.ind lr, $3  }
0x3a: {  	_ = 	snop  }
0x3b: {  	_ = 	snop  }
0x3c: {  	p2 =	seq.s32 s10, $0x1;
	s10 =	sld [smem:$0x3FB9]  }
0x3d: {  	_ =	shalt  }
0x3e: {  	_ =	shalt  }
0x3f: {  	_ =	shalt  }
0x40: {  	_ =	shalt  }
0x41: {  	_ =	shalt  }
0x42: {  	_ =	shalt  }
0x43: {  	_ =	shalt  }
0x44: {  	_ =	shalt  }
0x45: {  	_ =	shalt  }
0x46: {  	_ =	shalt  }
0x47: {  	_ =	shalt  }
0x48: {  	_ =	shalt  }
0x49: {  	_ =	shalt  }
0x4a: {  	_ =	shalt  }
0x4b: {  	_ =	shalt  }
0x4c: {  	_ =	shalt  }
0x4d: {  	_ =	shalt  }
0x4e: {  	_ =	shalt  }
0x4f: {  	_ =	shalt  }
0x50: {  	_ =	shalt  }
0x51: {  	_ =	shalt  }
0x52: {  	_ =	shalt  }
0x53: {  	_ =	shalt  }
0x54: {  	_ =	shalt  }
0x55: {  	_ =	shalt  }
0x56: {  	_ =	shalt  }
0x57: {  	_ =	shalt  }
0x58: {  	_ =	shalt  }
0x59: {  	_ =	shalt  }
0x5a: {  	_ =	shalt  }
0x5b: {  	_ =	shalt  }
0x5c: {  	_ =	shalt  }
0x5d: {  	_ =	shalt  }
0x5e: {  	_ =	shalt  }
0x5f: {  	_ =	shalt  }
0x60: {  	_ =	shalt  }
0x61: {  	_ =	shalt  }
0x62: {  	_ =	shalt  }
0x63: {  	_ =	shalt  }
0x64: {  	_ =	shalt  }
0x65: {  	_ =	shalt  }
0x66: {  	_ =	shalt  }
0x67: {  	_ =	shalt  }
0x68: {  	_ =	shalt  }
0x69: {  	_ =	shalt  }
0x6a: {  	_ =	shalt  }
0x6b: {  	_ =	shalt  }
0x6c: {  	_ =	shalt  }
0x6d: {  	_ =	shalt  }
0x6e: {  	_ =	shalt  }
0x6f: {  	_ =	shalt  }
0x70: {  	_ =	shalt  }
0x71: {  	_ =	shalt  }
0x72: {  	_ =	shalt  }
0x73: {  	_ =	shalt  }
0x74: {  	_ =	shalt  }
0x75: {  	_ =	shalt  }
0x76: {  	_ =	shalt  }
0x77: {  	_ =	shalt  }
0x78: {  	_ =	shalt  }
0x79: {  	_ =	shalt  }
0x7a: {  	_ =	shalt  }
0x7b: {  	_ =	shalt  }
0x7c: {  	_ =	shalt  }
0x7d: {  	_ =	shalt  }
0x7e: {  	_ =	shalt  }
0x7f: {  	_ =	shalt  }
0x80: {  	_ =	shalt  }
0x81: {  	_ =	shalt  }
0x82: {  	_ =	shalt  }
0x83: {  	_ =	shalt  }
0x84: {  	_ =	shalt  }
0x85: {  	_ =	shalt  }
0x86: {  	_ =	shalt  }
0x87: {  	_ =	shalt  }
.Lfunc_end0:
.L_simem_size_0:
called_computation.2_lowered:
.L_overlay_start_0:
0x88: {  	s2 =	sld [smem:$0x3FD9]  }
0x89: {  	s3 =	sld [smem:$0x3FFE];
	_ =	sdelay $0x1  }
0x8a: {  	s1 =	srdreg.scid  }
0x8b: {  	s0 =	sand.u32 $0x1, s1  }
0x8c: {  	s16 =	sshll.u32 s0, $0xA;
	s2 =	sadd.s32 s3, s2  }
0x8d: {  	s2 =	sadd.s32 s2, s16  }
0x8e: {  	[smem:$0x3FC5] =	sst s2  }
0x8f: {  	_ = 	snop  }
0x90: {  	(tm) =	ssettm $0x1  }
0x91: {  	s17 =	sld [smem:$0x3FFB];
	_ =	sdelay $0x3  }
0x92: {  	_ =	strace s17  }
0x93: {  	s2 =	sld [smem:$0x3FFC];
	_ =	sdelay $0x3  }
0x94: {  	_ =	strace s2  }
0x95: {  	s2 =	sld [smem:$0x3FFD];
	_ =	sdelay $0x3  }
0x96: {  	_ =	strace s2  }
0x97: {  	_ =	strace $0x8FFFFFFF  }
0x98: {  	s18 =	sld [smem:$0x3FDB];
	_ =	sdelay $0x1  }
0x99: {  	s19 =	simm.s32 $_scs_section_size  }
0x9a: {  	s4 =	simm.s32 $_size__tile_overlayer_lowered;
	s5 =	simm.s32 $_tile_overlayer_lowered  }
0x9b: {  	s22 =	simm.s32 $0x1BFF;
	s21 =	sshll.u32 s5, $0x1;
	s2 =	sadd.s32 s19, s18  }
0x9c: {  	s6 =	simm.s32 $0x0;
	s20 =	sshll.u32 s4, $0x1;
	s4 =	sadd.s32 s21, s2  }
0x9d: {  	[timem:s6], [sflag:s22] =	dma.local [hbm:s4], s20  }
0x9e: {  	_ =	swait.ge [sflag:s22], s20  }
0x9f: {  	s3 =	ssub.s32 $0x0, s20;
	[sflag:s22] =	ssyncset.done $0x0  }
0xa0: {  	[sflag:s22] =	ssyncadd.s32 s3;
	_ =	sdelay $0x1  }
0xa1: {  	s23 =	simm.s32 $0x1B8B  }
0xa2: {  	_ =	swait.ge [sflag:s23], $0x1  }
0xa3: {  	[sflag:s23] =	ssyncset.done $0x0  }
0xa4: {  	s25 =	simm.s32 $0x1B8E;
	s24 =	sld [smem:$0x3FFE];
	[sflag:s23] =	ssyncadd.s32 $0xFFFFFFFF  }
0xa5: {  	s26 =	simm.s32 $execute0_lowered;
	[smem:$0x3FD2] =	sst s25  }
0xa6: {  	s4 =	sshll.u32 s26, $0x1;
	_ =	strace $0x8000004C;
	[dreg:$0x1] =	wrdreg $0xFFFFFFFF  }
0xa7: {  	s28 =	simm.s32 $_size_execute0_lowered;
	s2 =	sadd.s32 s2, s4;
	[dreg:$0x0] =	wrdreg $0x0  }
0xa8: {  	s4 =	sshll.u32 s28, $0x1;
	[dreg:$0x2] =	wrdreg s2  }
0xa9: {  	[dreg:$0x3] =	wrdreg s4  }
0xaa: {  	[dreg:$0x4] =	wrdreg $0xC0  }
0xab: {  	_ =	task [dreg:s6], $0x5FFFF  }
0xac: {  	[dreg:$0x1] =	wrdreg $0xFFFFFFFF  }
0xad: {  	[dreg:$0x0] =	wrdreg $0x60  }
0xae: {  	[dreg:$0x2] =	wrdreg s24  }
0xaf: {  	[dreg:$0x3] =	wrdreg $0x9  }
0xb0: {  	_ =	task.clear_ibuf [dreg:s6], $0x4FFFF;
	_ =	strace $0x9000004C  }
0xb1: {  	s29 =	simm.s32 $0x9;
	_ =	strace $0x8000004E  }
0xb2: {  	_ =	swait.ge [sflag:s29], $0x1  }
0xb3: {  	[sflag:s29] =	ssyncadd.s32 $0xFFFFFFFF  }
0xb4: {  	_ =	strace $0x9000004E  }
0xb5: {  	_ =	sfence  }
0xb6: {  	s30 =	sld [smem:$0x0];
	_ =	sdelay $0x2  }
0xb7: {  	s31 =	sshll.u32 s1, $0xD;
	s1 =	sshrl.u32 s1, $0x2  }
0xb8: {  	s3 =	sand.u32 $0x4000, s31;
	s1 =	sadd.s32 s1, s30  }
0xb9: {  	s0 =	sor.u32 s3, s0;
	s1 =	sshll.u32 s1, $0x11  }
0xba: {  	s0 =	sor.u32 s1, s0  }
0xbb: {  	s0 =	sadd.s32 $0x8F2B, s0  }
0xbc: {  	[sflag:s0] =	ssyncadd.remote.s32 $0x1  }
0xbd: {  	_ =	sfence.sel $0xFFFF  }
0xbe: {  	[dreg:$0x0] =	wrdreg $0xFFFFFFFF;
	(pc) =	sbr.abs _section_cstart, $3  }
0xbf: {  	[dreg:$0x1] =	wrdreg $0xFFFFFFFF  }
0xc0: {  	_ =	task.clear_ibuf [dreg:s6], $0x2FFFF;
	_ =	strace $0x9FFFFFFF  }
0xc1: {  	(tm) =	ssettm $0x7FFFFFFF  }
tec
execute0_lowered:
.L_overlay_start_1:
0x0: {  	(tag) =	ssettag $0x1  }
0x1: {  	s8 =	rddreg [dreg:$0x0]  }
0x2: {  	s0 =	rddreg [dreg:$0x1];
	_ =	strace $0x8000004D;
	s1 =	stileid.u32  }
0x3: {  	s3 =	srdreg.scid;
	s4 =	simm.s32 $0x1;
	s7 =	simm.s32 $0x1  }
0x4: {  	s9 =	simm.s32 $0x1;
	s10 =	simm.s32 $0x3;
	s13 =	simm.s32 $0x0  }
0x5: {  	s12 =	simm.s32 $0x0;
	s5 =	sand.u32 $0x1, s3;
	s6 =	sshll.u32 s1, $0x1  }
0x6: {  	s2 =	sadd.s32 $0x600, s8;
	s3 =	sadd.s32 $0xA600, s8;
	s5 =	sor.u32 s6, s5  }
.Ltmp0:
0x7: {  	[sflag:s4] =	ssyncpa.u1 $0x0;
	p0 =	slt.u32 s5, $0x9;
	(pc) =	sbr.rel .LBB2_1-.Ltmp0, $4  }
0x8: {  	s6 =	simm.s32 $0x2;
	s7 =	simm.s32 @!p0 $0x0;
	p0 =	sne.s32 s5, $0x8  }
0x9: {  	[sflag:s6] =	ssyncpa.u1 $0x0;
	s5 =	smul.u32 $0xFA0, s5;
	s9 =	simm.s32 @!p0 $0x0  }
0xa: {  	s8 =	sadd.s32 $0x14600, s8;
	[sflag:s10] =	ssyncpa.u1 $0x0;
	s7 =	sadd.s32 s9, s7  }
0xb: {  	vm0 =	vmmov $0xffff;
	s10 =	simm.s32 $0x0;
	s11 =	smov.u32 s5;
	s9 =	sadd.s32 $0x1, s7  }
.LBB2_4:
0xc: {  	v2 =	vnsel vm1, $0x0, v2  }
0xd: {  	vm1 =	vgt.s32 v0, $0x0;
	v2 =	vmin.u32 v2, $0x270FF  }
0xe: {  	v0 =	vnsel vm1, $0x0, v0  }
0xf: {  	v0 =	vmin.u32 v0, $0x270FF  }
0x10: {  	[tilespmem:s18], [sflag:$0x1] =	stream.indirect_vreg.gather [hbm4b:s2+s10], $0x1, v1, vm0, $0x4038;
	[tilespmem:$0x3E80] =	vst v63  }
0x11: {  	(ifvalue) =	ssetifvalue $0x7FFFFFFF  }
0x12: {  	[tilespmem:s15], [sflag:$0x1] =	stream.indirect_vreg.gather [hbm4b:s2+s10], $0x1, v2, vm0, $0x4038;
	[tilespmem:$0x3E80] =	vst v63  }
0x13: {  	s29 =	sadd.s32 $0x10, s15;
	(ifvalue) =	ssetifvalue $0x7FFFFFFF  }
0x14: {  	[tilespmem:s29], [sflag:$0x1] =	stream.indirect_vreg.gather [hbm4b:s2+s10], $0x1, v0, vm0, $0x4038;
	[tilespmem:$0x3E80] =	vst v63  }
0x15: {  	_ =	swait.ge [sflag:s4], $0xFA0  }
0x16: {  	s30 =	sshrl.u32 s13, $0x3;
	[sflag:s4] =	ssyncset.done $0x0  }
0x17: {  	s31 =	sand.u32 $0x7, s13;
	s15 =	sadd.s32 s8, s30;
	[sflag:s4] =	ssyncadd.s32 $0xFFFFF060  }
0x18: {  	[hbm4b:s15+s31] =	stream.linear.scatter [tilespmem:s14], [sflag:$0x3], $0xFA0, $0x38;
	[tilespmem:$0x3E80] =	vst v63  }
.LBB2_5:
0x19: {  	s15 =	sadd.s32 $0x1F400, s11  }
0x1a: {  	p1 =	sgt.s32 s15, $0x270FF  }
0x1b: {  	s15 =	smov.u32 @p1 s5;
	p1 =	sne.s32 s12, s9  }
.Ltmp1:
0x1c: {  	p0 =	slt.u32 s12, $0x2;
	(pc) =	sbr.rel @!p1 .LBB2_6-.Ltmp1, $4  }
0x1d: {  	s14 =	simm.s32 @!p0 $0x3  }
0x1e: {  	_ =	swait.ge @!p0 [sflag:s14], $0xFA0  }
0x1f: {  	s16 =	sadd.s32 $0x1, s12;
	s13 =	smov.u32 s11;
	[sflag:s14] =	ssyncset.done @!p0 $0x0  }
0x20: {  	s12 =	smov.u32 s16;
	s11 =	smov.u32 s15;
	[sflag:s14] =	ssyncadd.s32 @!p0 $0xFFFFF060  }
.LBB2_1:
0x21: {  	p0 =	sge.u32 s12, s7  }
0x22: {  	s14 =	sxor.u32 @!p0 $0x1, s12  }
0x23: {  	s14 =	smul.u32 @!p0 $0x3E80, s14  }
0x24: {  	s31 =	sadd.s32 $0xFFFFFFFF, s12;
	s15 =	sshrl.u32 @!p0 s11, $0x3  }
0x25: {  	s16 =	sand.u32 @!p0 $0x7, s11;
	s15 =	sadd.s32 @!p0 s3, s15;
	s14 =	sshra.s32 @!p0 s14, $0x2  }
0x26: {  	[tilespmem:s14], [sflag:$0x2] =	stream.linear.gather @!p0 [hbm4b:s15+s16], $0xFA0, $0x38;
	[tilespmem:$0x3E80] =	vst v63  }
0x27: {  	p0 =	sge.u32 s31, s7  }
.Ltmp2:
0x28: {  	_ = 	snop;
	(pc) =	sbr.rel @p0 .LBB2_5-.Ltmp2, $1  }
0x29: {  	_ =	sdelay $0x3  }
0x2a: {  	s14 =	sand.u32 $0x1, s12  }
0x2b: {  	_ =	swait.ge [sflag:s6], $0xFA0;
	p0 =	seq.s32 s14, $0x1;
	s14 =	simm.s32 $0xFA0  }
0x2c: {  	[sflag:s6] =	ssyncset.done $0x0;
	s14 =	simm.s32 @!p0 $0x0  }
0x2d: {  	[sflag:s6] =	ssyncadd.s32 $0xFFFFF060;
	(ifvalue) =	ssetifvalue $0x7FFFFFFF;
	v0 =	vld.msk [tilespmem:s14+$0x0 ss:$0x1], $0xffff;
	_ =	sdelay $0x4  }
0x2e: {  	s15 =	sadd.s32 $0x10, s14;
	vm1 =	vgt.s32 v0, $0x0  }
0x2f: {  	v2 =	vld.msk [tilespmem:s15+$0x0 ss:$0x1], $0xffff;
	v1 =	vnsel vm1, $0x0, v0  }
0x30: {  	v1 =	vmin.u32 v1, $0x270FF;
	_ =	sdelay $0x2  }
0x31: {  	s17 =	simm.s32 $0x20;
	s14 =	sadd.s32 $0x1F40, s14;
	s16 =	sadd.s32 $0x10, s15  }
0x32: {  	s15 =	sadd.s32 $0x10, s14;
	s18 =	smov.u32 s14;
	v0 =	vld.msk [tilespmem:s16+$0x0 ss:$0x1], $0xffff;
	vm1 =	vgt.s32 v2, $0x0;
	(ifvalue) =	ssetifvalue $0x7FFFFFFF  }
.LBB2_3:
0x33: {  	[tilespmem:s18], [sflag:$0x1] =	stream.indirect_vreg.gather [hbm4b:s2+s10], $0x1, v1, vm0, $0x4038;
	[tilespmem:$0x3E80] =	vst v63  }
0x34: {  	s17 =	sadd.s32 $0x10, s17  }
0x35: {  	v2 =	vnsel vm1, $0x0, v2;
	p0 =	slt.u32 s17, $0xF90  }
.Ltmp3:
0x36: {  	s18 =	smov.u32 s15;
	v1 =	vmin.u32 v2, $0x270FF;
	(pc) =	sbr.rel @p0 .LBB2_3-.Ltmp3, $3  }
0x37: {  	_ =	sdelay $0x1  }
0x38: {  	s16 =	sadd.s32 $0x10, s16  }
0x39: {  	vm1 =	vgt.s32 v0, $0x0;
	s15 =	sadd.s32 $0x10, s15;
	v2 =	vmov v0;
	(ifvalue) =	ssetifvalue $0x7FFFFFFF;
	v0 =	vld.msk [tilespmem:s16+$0x0 ss:$0x1], $0xffff  }
.Ltmp4:
0x3a: {  	_ = 	snop;
	(pc) =	sbr.rel .LBB2_4-.Ltmp4, $1  }
0x3b: {  	_ =	sdelay $0x3  }
.LBB2_6:
0x3c: {  	_ =	sfence.sel $0x180000  }
0x3d: {  	s2 =	simm.s32 $0x2;
	[bflag:$0x0] =	sbarrier.arrive $0xFFFF  }
0x3e: {  	s30 =	simm.s32 $0x3;
	[sflag:s2] =	ssyncpa.u1 $0x1  }
0x3f: {  	s31 =	simm.s32 $0x1;
	[sflag:s30] =	ssyncpa.u1 $0x1  }
0x40: {  	[sflag:s31] =	ssyncpa.u1 $0x1  }
0x41: {  	p0 =	sne.s32 s1, $0x0;
	_ =	strace $0x9000004D  }
0x42: {  	s0 =	sadd.s32 @!p0 $0x100000, s0;
	[bflag:$0x2] =	sbarrier.arrive $0xFFFF  }
0x43: {  	[sflag:s0] =	ssyncadd.tile.s32 @!p0 $0x1;
	_ =	shalt  }
.Lfunc_end2:
_tile_overlayer_lowered:
.L_overlay_start_2:
0x44: {  	(tag) =	ssettag $0x2  }
0x45: {  	s0 =	rddreg [dreg:$0x0];
	s2 =	stileid.u32  }
0x46: {  	s1 =	rddreg [dreg:$0x1];
	p0 =	sne.s32 s2, $0x0  }
0x47: {  	s3 =	rddreg [dreg:$0x2];
	[bflag:$0x3] =	sbarrier.arrive $0xFFFF;
	s2 =	simm.s32 @!p0 $0x1C01  }
0x48: {  	[timem:s3], [sflag:s2] =	dma.local @!p0 [hbm:s0], s1  }
0x49: {  	s0 =	simm.s32 @!p0 $0x1  }
0x4a: {  	_ =	swait.ge @!p0 [sflag:s0], s1  }
0x4b: {  	s1 =	ssub.s32 @!p0 $0x0, s1;
	[sflag:s0] =	ssyncset.done @!p0 $0x0  }
0x4c: {  	[sflag:s0] =	ssyncadd.s32 @!p0 s1  }
0x4d: {  	[bflag:$0x3] =	sbarrier.arrive $0xFFFF  }
0x4e: {  	_ =	shalt  }

// kernel: gather_offload_async_start
scs
__scs_entry_jumppad:
0x0: {  	(pc) =	sbr.rel $0x88, $3  }
0x1: {  	(tag) =	ssettag $0x0;
	lr =	simm.s32 $0x1  }
0x2: {  	[smem:$0x3F9E] =	sst lr;
	_ =	strace $0xD0000000  }
0x3: {  	_ = 	snop  }
0x4: {  	_ = 	snop  }
0x5: {  	_ = 	snop  }
0x6: {  	_ = 	snop  }
0x7: {  	_ = 	snop  }
__scs_overlays_trampoline_lowered:
0x8: {  	[smem:$0x3FAD] =	sst s0  }
0x9: {  	[smem:$0x3FAE] =	sst s1  }
0xa: {  	[smem:$0x3FAF] =	sst s2  }
0xb: {  	[smem:$0x3FB0] =	sst s3  }
0xc: {  	[smem:$0x3FB1] =	sst s4  }
0xd: {  	[smem:$0x3FB2] =	sst s5  }
0xe: {  	[smem:$0x3FB3] =	sst s6  }
0xf: {  	[smem:$0x3FB4] =	sst s7  }
0x10: {  	[smem:$0x3FB5] =	sst s8  }
0x11: {  	[smem:$0x3FB6] =	sst s9;
	s0 =	simm.s32 @!p0 $0x0  }
0x12: {  	s1 =	sld [smem:$0x3F9C];
	s0 =	simm.s32 @p0 $0x1  }
0x13: {  	[smem:$0x3FB7] =	sst s0;
	s0 =	simm.s32 @!p1 $0x0  }
0x14: {  	s2 =	sld [smem:$0x3F9B];
	s0 =	simm.s32 @p1 $0x1  }
0x15: {  	[smem:$0x3FB8] =	sst s0;
	s0 =	simm.s32 @!p2 $0x0  }
0x16: {  	s3 =	sld [smem:$0x3FDB];
	s0 =	simm.s32 @p2 $0x1  }
0x17: {  	s4 =	simm.s32 $0x1BF5;
	[smem:$0x3FBA] =	sst s0  }
0x18: {  	s0 =	sld [smem:$0x3F9D];
	_ =	swait.ge [sflag:s4], $0x0  }
0x19: {  	s7 =	sld [smem:$0x3F9E]  }
0x1a: {  	s8 =	sadd.s32 $0xFFFFE003, lr  }
0x1b: {  	s9 =	sadd.s32 $0xFFFFFEF7, lr;
	s5 =	simm.s32 $0xFFFFFFFF;
	p2 =	slt.u32 s8, $0xFFFFF086  }
0x1c: {  	p1 =	slt.u32 s9, $0xF7A;
	s5 =	simm.s32 @!p2 $0x0  }
0x1d: {  	s5 =	simm.s32 @p1 $0x1;
	p0 =	seq.s32 s7, s2  }
0x1e: {  	s7 =	smul.u32 @!p0 $0xF7A, s2;
	p2 =	seq.s32 @!p0 s5, $0x0  }
0x1f: {  	s9 =	smul.u32 $0xF7A, s1;
	s8 =	simm.s32 @!p0 $0x1BF5;
	p2 =	por !p2, p0  }
0x20: {  	[sflag:s8] =	ssyncset.s32 @!p0 $0xFFFFF086;
	s6 =	sadd.s32 @!p0 s3, s7;
	s7 =	simm.s32 @!p0 $0x108  }
0x21: {  	s3 =	sadd.s32 s3, s9;
	s6 =	sadd.s32 @!p0 $0x88, s6;
	s7 =	simm.s32 @p2 $0x1082  }
0x22: {  	[simem:s7], [sflag:s8] =	dma.local @!p0 [hbm:s6], $0xF7A  }
0x23: {  	s9 =	sor.u32 $0xD0000000, s2;
	s6 =	simm.s32 $0x108;
	_ =	swait.ge @!p0 [sflag:s8], $0x0  }
0x24: {  	s3 =	sadd.s32 $0x88, s3;
	s6 =	simm.s32 @!p1 $0x1082;
	[sflag:s4] =	ssyncset.s32 $0xFFFFF086  }
0x25: {  	[simem:s6], [sflag:s4] =	dma.local [hbm:s3], $0xF7A  }
0x26: {  	[smem:$0x3F9E] =	sst s1;
	(tag) =	ssettag s2;
	_ =	strace s9  }
0x27: {  	s1 =	sld [smem:$0x3FAE]  }
0x28: {  	s2 =	sld [smem:$0x3FAF]  }
0x29: {  	s4 =	sld [smem:$0x3FB1]  }
0x2a: {  	p0 =	seq.s32 s5, $0x0;
	s5 =	sld [smem:$0x3FB2]  }
0x2b: {  	s6 =	sld [smem:$0x3FB3]  }
0x2c: {  	s7 =	sld [smem:$0x3FB4]  }
0x2d: {  	s3 =	simm.s32 $0x108;
	s8 =	sld [smem:$0x3FB5]  }
0x2e: {  	s3 =	simm.s32 @!p0 $0x1082;
	s9 =	sld [smem:$0x3FB6]  }
0x2f: {  	lr =	sadd.s32 s0, s3;
	s0 =	sld [smem:$0x3FAD]  }
0x30: {  	s3 =	sld [smem:$0x3FB0]  }
0x31: {  	[smem:$0x3FB9] =	sst s10  }
0x32: {  	s10 =	sld [smem:$0x3FB7];
	_ =	sdelay $0x3  }
0x33: {  	p0 =	seq.s32 s10, $0x1;
	s10 =	sld [smem:$0x3FB9];
	_ =	sdelay $0x3  }
0x34: {  	[smem:$0x3FB9] =	sst s10  }
0x35: {  	s10 =	sld [smem:$0x3FB8];
	_ =	sdelay $0x3  }
0x36: {  	p1 =	seq.s32 s10, $0x1;
	s10 =	sld [smem:$0x3FB9];
	_ =	sdelay $0x3  }
0x37: {  	[smem:$0x3FB9] =	sst s10  }
0x38: {  	s10 =	sld [smem:$0x3FBA]  }
0x39: {  	_ = 	snop;
	(pc) =	sbr.ind lr, $3  }
0x3a: {  	_ = 	snop  }
0x3b: {  	_ = 	snop  }
0x3c: {  	p2 =	seq.s32 s10, $0x1;
	s10 =	sld [smem:$0x3FB9]  }
0x3d: {  	_ =	shalt  }
0x3e: {  	_ =	shalt  }
0x3f: {  	_ =	shalt  }
0x40: {  	_ =	shalt  }
0x41: {  	_ =	shalt  }
0x42: {  	_ =	shalt  }
0x43: {  	_ =	shalt  }
0x44: {  	_ =	shalt  }
0x45: {  	_ =	shalt  }
0x46: {  	_ =	shalt  }
0x47: {  	_ =	shalt  }
0x48: {  	_ =	shalt  }
0x49: {  	_ =	shalt  }
0x4a: {  	_ =	shalt  }
0x4b: {  	_ =	shalt  }
0x4c: {  	_ =	shalt  }
0x4d: {  	_ =	shalt  }
0x4e: {  	_ =	shalt  }
0x4f: {  	_ =	shalt  }
0x50: {  	_ =	shalt  }
0x51: {  	_ =	shalt  }
0x52: {  	_ =	shalt  }
0x53: {  	_ =	shalt  }
0x54: {  	_ =	shalt  }
0x55: {  	_ =	shalt  }
0x56: {  	_ =	shalt  }
0x57: {  	_ =	shalt  }
0x58: {  	_ =	shalt  }
0x59: {  	_ =	shalt  }
0x5a: {  	_ =	shalt  }
0x5b: {  	_ =	shalt  }
0x5c: {  	_ =	shalt  }
0x5d: {  	_ =	shalt  }
0x5e: {  	_ =	shalt  }
0x5f: {  	_ =	shalt  }
0x60: {  	_ =	shalt  }
0x61: {  	_ =	shalt  }
0x62: {  	_ =	shalt  }
0x63: {  	_ =	shalt  }
0x64: {  	_ =	shalt  }
0x65: {  	_ =	shalt  }
0x66: {  	_ =	shalt  }
0x67: {  	_ =	shalt  }
0x68: {  	_ =	shalt  }
0x69: {  	_ =	shalt  }
0x6a: {  	_ =	shalt  }
0x6b: {  	_ =	shalt  }
0x6c: {  	_ =	shalt  }
0x6d: {  	_ =	shalt  }
0x6e: {  	_ =	shalt  }
0x6f: {  	_ =	shalt  }
0x70: {  	_ =	shalt  }
0x71: {  	_ =	shalt  }
0x72: {  	_ =	shalt  }
0x73: {  	_ =	shalt  }
0x74: {  	_ =	shalt  }
0x75: {  	_ =	shalt  }
0x76: {  	_ =	shalt  }
0x77: {  	_ =	shalt  }
0x78: {  	_ =	shalt  }
0x79: {  	_ =	shalt  }
0x7a: {  	_ =	shalt  }
0x7b: {  	_ =	shalt  }
0x7c: {  	_ =	shalt  }
0x7d: {  	_ =	shalt  }
0x7e: {  	_ =	shalt  }
0x7f: {  	_ =	shalt  }
0x80: {  	_ =	shalt  }
0x81: {  	_ =	shalt  }
0x82: {  	_ =	shalt  }
0x83: {  	_ =	shalt  }
0x84: {  	_ =	shalt  }
0x85: {  	_ =	shalt  }
0x86: {  	_ =	shalt  }
0x87: {  	_ =	shalt  }
.Lfunc_end0:
.L_simem_size_0:
called_computation.1_lowered:
.L_overlay_start_0:
0x88: {  	s2 =	sld [smem:$0x3FD9]  }
0x89: {  	s3 =	sld [smem:$0x3FFE];
	_ =	sdelay $0x1  }
0x8a: {  	s1 =	srdreg.scid  }
0x8b: {  	s0 =	sand.u32 $0x1, s1  }
0x8c: {  	s16 =	sshll.u32 s0, $0xA;
	s2 =	sadd.s32 s3, s2  }
0x8d: {  	s2 =	sadd.s32 s2, s16  }
0x8e: {  	[smem:$0x3FC5] =	sst s2  }
0x8f: {  	_ = 	snop  }
0x90: {  	(tm) =	ssettm $0x1  }
0x91: {  	s17 =	sld [smem:$0x3FFB];
	_ =	sdelay $0x3  }
0x92: {  	_ =	strace s17  }
0x93: {  	s2 =	sld [smem:$0x3FFC];
	_ =	sdelay $0x3  }
0x94: {  	_ =	strace s2  }
0x95: {  	s2 =	sld [smem:$0x3FFD];
	_ =	sdelay $0x3  }
0x96: {  	_ =	strace s2  }
0x97: {  	_ =	strace $0x8FFFFFFF  }
0x98: {  	s18 =	sld [smem:$0x3FDB];
	_ =	sdelay $0x1  }
0x99: {  	s19 =	simm.s32 $_scs_section_size  }
0x9a: {  	s4 =	simm.s32 $_size__tile_overlayer_lowered;
	s5 =	simm.s32 $_tile_overlayer_lowered  }
0x9b: {  	s22 =	simm.s32 $0x1BFF;
	s21 =	sshll.u32 s5, $0x1;
	s2 =	sadd.s32 s19, s18  }
0x9c: {  	s6 =	simm.s32 $0x0;
	s20 =	sshll.u32 s4, $0x1;
	s4 =	sadd.s32 s21, s2  }
0x9d: {  	[timem:s6], [sflag:s22] =	dma.local [hbm:s4], s20  }
0x9e: {  	_ =	swait.ge [sflag:s22], s20  }
0x9f: {  	s3 =	ssub.s32 $0x0, s20;
	[sflag:s22] =	ssyncset.done $0x0  }
0xa0: {  	[sflag:s22] =	ssyncadd.s32 s3;
	_ =	sdelay $0x1  }
0xa1: {  	s23 =	simm.s32 $0x1B8B  }
0xa2: {  	_ =	swait.ge [sflag:s23], $0x1  }
0xa3: {  	[sflag:s23] =	ssyncset.done $0x0  }
0xa4: {  	s25 =	simm.s32 $0x1B8E;
	s24 =	sld [smem:$0x3FFE];
	[sflag:s23] =	ssyncadd.s32 $0xFFFFFFFF  }
0xa5: {  	s26 =	simm.s32 $execute0_lowered;
	[smem:$0x3FD2] =	sst s25  }
0xa6: {  	s4 =	sshll.u32 s26, $0x1;
	_ =	strace $0x80000046;
	[dreg:$0x1] =	wrdreg $0xFFFFFFFF  }
0xa7: {  	s28 =	simm.s32 $_size_execute0_lowered;
	s2 =	sadd.s32 s2, s4;
	[dreg:$0x0] =	wrdreg $0x0  }
0xa8: {  	s4 =	sshll.u32 s28, $0x1;
	[dreg:$0x2] =	wrdreg s2  }
0xa9: {  	[dreg:$0x3] =	wrdreg s4  }
0xaa: {  	[dreg:$0x4] =	wrdreg $0xC0  }
0xab: {  	_ =	task [dreg:s6], $0x5FFFF  }
0xac: {  	[dreg:$0x1] =	wrdreg $0xFFFFFFFF  }
0xad: {  	[dreg:$0x0] =	wrdreg $0x60  }
0xae: {  	[dreg:$0x2] =	wrdreg s24  }
0xaf: {  	[dreg:$0x3] =	wrdreg $0x9  }
0xb0: {  	_ =	task.clear_ibuf [dreg:s6], $0x4FFFF;
	_ =	strace $0x90000046  }
0xb1: {  	s29 =	simm.s32 $0x9;
	_ =	strace $0x80000048  }
0xb2: {  	_ =	swait.ge [sflag:s29], $0x1  }
0xb3: {  	[sflag:s29] =	ssyncadd.s32 $0xFFFFFFFF  }
0xb4: {  	_ =	strace $0x90000048  }
0xb5: {  	_ =	sfence  }
0xb6: {  	s30 =	sld [smem:$0x0];
	_ =	sdelay $0x2  }
0xb7: {  	s31 =	sshll.u32 s1, $0xD;
	s1 =	sshrl.u32 s1, $0x2  }
0xb8: {  	s3 =	sand.u32 $0x4000, s31;
	s1 =	sadd.s32 s1, s30  }
0xb9: {  	s0 =	sor.u32 s3, s0;
	s1 =	sshll.u32 s1, $0x11  }
0xba: {  	s0 =	sor.u32 s1, s0  }
0xbb: {  	s0 =	sadd.s32 $0x8F2B, s0  }
0xbc: {  	[sflag:s0] =	ssyncadd.remote.s32 $0x1  }
0xbd: {  	_ =	sfence.sel $0xFFFF  }
0xbe: {  	[dreg:$0x0] =	wrdreg $0xFFFFFFFF;
	(pc) =	sbr.abs _section_cstart, $3  }
0xbf: {  	[dreg:$0x1] =	wrdreg $0xFFFFFFFF  }
0xc0: {  	_ =	task.clear_ibuf [dreg:s6], $0x2FFFF;
	_ =	strace $0x9FFFFFFF  }
0xc1: {  	(tm) =	ssettm $0x7FFFFFFF  }
tec
execute0_lowered:
.L_overlay_start_1:
0x0: {  	(tag) =	ssettag $0x1  }
0x1: {  	s8 =	rddreg [dreg:$0x0]  }
0x2: {  	s0 =	rddreg [dreg:$0x1];
	_ =	strace $0x80000047;
	s1 =	stileid.u32  }
0x3: {  	s3 =	srdreg.scid;
	s4 =	simm.s32 $0x1;
	s7 =	simm.s32 $0x1  }
0x4: {  	s9 =	simm.s32 $0x1;
	s10 =	simm.s32 $0x3;
	s13 =	simm.s32 $0x0  }
0x5: {  	s12 =	simm.s32 $0x0;
	s5 =	sand.u32 $0x1, s3;
	s6 =	sshll.u32 s1, $0x1  }
0x6: {  	s2 =	sadd.s32 $0x5600, s8;
	s3 =	sadd.s32 $0xA600, s8;
	s5 =	sor.u32 s6, s5  }
.Ltmp0:
0x7: {  	[sflag:s4] =	ssyncpa.u1 $0x0;
	p0 =	slt.u32 s5, $0x9;
	(pc) =	sbr.rel .LBB2_1-.Ltmp0, $4  }
0x8: {  	s6 =	simm.s32 $0x2;
	s7 =	simm.s32 @!p0 $0x0;
	p0 =	sne.s32 s5, $0x8  }
0x9: {  	[sflag:s6] =	ssyncpa.u1 $0x0;
	s5 =	smul.u32 $0xFA0, s5;
	s9 =	simm.s32 @!p0 $0x0  }
0xa: {  	s8 =	sadd.s32 $0x5E600, s8;
	[sflag:s10] =	ssyncpa.u1 $0x0;
	s7 =	sadd.s32 s9, s7  }
0xb: {  	vm0 =	vmmov $0xffff;
	s10 =	simm.s32 $0x0;
	s11 =	smov.u32 s5;
	s9 =	sadd.s32 $0x1, s7  }
.LBB2_4:
0xc: {  	v2 =	vnsel vm1, $0x0, v2  }
0xd: {  	vm1 =	vgt.s32 v0, $0x0;
	v2 =	vmin.u32 v2, $0x270FF  }
0xe: {  	v0 =	vnsel vm1, $0x0, v0  }
0xf: {  	v0 =	vmin.u32 v0, $0x270FF  }
0x10: {  	[tilespmem:s18], [sflag:$0x1] =	stream.indirect_vreg.gather [hbm4b:s2+s10], $0x1, v1, vm0, $0x4038;
	[tilespmem:$0x3E80] =	vst v63  }
0x11: {  	(ifvalue) =	ssetifvalue $0x7FFFFFFF  }
0x12: {  	[tilespmem:s15], [sflag:$0x1] =	stream.indirect_vreg.gather [hbm4b:s2+s10], $0x1, v2, vm0, $0x4038;
	[tilespmem:$0x3E80] =	vst v63  }
0x13: {  	s29 =	sadd.s32 $0x10, s15;
	(ifvalue) =	ssetifvalue $0x7FFFFFFF  }
0x14: {  	[tilespmem:s29], [sflag:$0x1] =	stream.indirect_vreg.gather [hbm4b:s2+s10], $0x1, v0, vm0, $0x4038;
	[tilespmem:$0x3E80] =	vst v63  }
0x15: {  	_ =	swait.ge [sflag:s4], $0xFA0  }
0x16: {  	s30 =	sshrl.u32 s13, $0x3;
	[sflag:s4] =	ssyncset.done $0x0  }
0x17: {  	s31 =	sand.u32 $0x7, s13;
	s15 =	sadd.s32 s8, s30;
	[sflag:s4] =	ssyncadd.s32 $0xFFFFF060  }
0x18: {  	[hbm4b:s15+s31] =	stream.linear.scatter [tilespmem:s14], [sflag:$0x3], $0xFA0, $0x38;
	[tilespmem:$0x3E80] =	vst v63  }
.LBB2_5:
0x19: {  	s15 =	sadd.s32 $0x1F400, s11  }
0x1a: {  	p1 =	sgt.s32 s15, $0x270FF  }
0x1b: {  	s15 =	smov.u32 @p1 s5;
	p1 =	sne.s32 s12, s9  }
.Ltmp1:
0x1c: {  	p0 =	slt.u32 s12, $0x2;
	(pc) =	sbr.rel @!p1 .LBB2_6-.Ltmp1, $4  }
0x1d: {  	s14 =	simm.s32 @!p0 $0x3  }
0x1e: {  	_ =	swait.ge @!p0 [sflag:s14], $0xFA0  }
0x1f: {  	s16 =	sadd.s32 $0x1, s12;
	s13 =	smov.u32 s11;
	[sflag:s14] =	ssyncset.done @!p0 $0x0  }
0x20: {  	s12 =	smov.u32 s16;
	s11 =	smov.u32 s15;
	[sflag:s14] =	ssyncadd.s32 @!p0 $0xFFFFF060  }
.LBB2_1:
0x21: {  	p0 =	sge.u32 s12, s7  }
0x22: {  	s14 =	sxor.u32 @!p0 $0x1, s12  }
0x23: {  	s14 =	smul.u32 @!p0 $0x3E80, s14  }
0x24: {  	s31 =	sadd.s32 $0xFFFFFFFF, s12;
	s15 =	sshrl.u32 @!p0 s11, $0x3  }
0x25: {  	s16 =	sand.u32 @!p0 $0x7, s11;
	s15 =	sadd.s32 @!p0 s3, s15;
	s14 =	sshra.s32 @!p0 s14, $0x2  }
0x26: {  	[tilespmem:s14], [sflag:$0x2] =	stream.linear.gather @!p0 [hbm4b:s15+s16], $0xFA0, $0x38;
	[tilespmem:$0x3E80] =	vst v63  }
0x27: {  	p0 =	sge.u32 s31, s7  }
.Ltmp2:
0x28: {  	_ = 	snop;
	(pc) =	sbr.rel @p0 .LBB2_5-.Ltmp2, $1  }
0x29: {  	_ =	sdelay $0x3  }
0x2a: {  	s14 =	sand.u32 $0x1, s12  }
0x2b: {  	_ =	swait.ge [sflag:s6], $0xFA0;
	p0 =	seq.s32 s14, $0x1;
	s14 =	simm.s32 $0xFA0  }
0x2c: {  	[sflag:s6] =	ssyncset.done $0x0;
	s14 =	simm.s32 @!p0 $0x0  }
0x2d: {  	[sflag:s6] =	ssyncadd.s32 $0xFFFFF060;
	(ifvalue) =	ssetifvalue $0x7FFFFFFF;
	v0 =	vld.msk [tilespmem:s14+$0x0 ss:$0x1], $0xffff;
	_ =	sdelay $0x4  }
0x2e: {  	s15 =	sadd.s32 $0x10, s14;
	vm1 =	vgt.s32 v0, $0x0  }
0x2f: {  	v2 =	vld.msk [tilespmem:s15+$0x0 ss:$0x1], $0xffff;
	v1 =	vnsel vm1, $0x0, v0  }
0x30: {  	v1 =	vmin.u32 v1, $0x270FF;
	_ =	sdelay $0x2  }
0x31: {  	s17 =	simm.s32 $0x20;
	s14 =	sadd.s32 $0x1F40, s14;
	s16 =	sadd.s32 $0x10, s15  }
0x32: {  	s15 =	sadd.s32 $0x10, s14;
	s18 =	smov.u32 s14;
	v0 =	vld.msk [tilespmem:s16+$0x0 ss:$0x1], $0xffff;
	vm1 =	vgt.s32 v2, $0x0;
	(ifvalue) =	ssetifvalue $0x7FFFFFFF  }
.LBB2_3:
0x33: {  	[tilespmem:s18], [sflag:$0x1] =	stream.indirect_vreg.gather [hbm4b:s2+s10], $0x1, v1, vm0, $0x4038;
	[tilespmem:$0x3E80] =	vst v63  }
0x34: {  	s17 =	sadd.s32 $0x10, s17  }
0x35: {  	v2 =	vnsel vm1, $0x0, v2;
	p0 =	slt.u32 s17, $0xF90  }
.Ltmp3:
0x36: {  	s18 =	smov.u32 s15;
	v1 =	vmin.u32 v2, $0x270FF;
	(pc) =	sbr.rel @p0 .LBB2_3-.Ltmp3, $3  }
0x37: {  	_ =	sdelay $0x1  }
0x38: {  	s16 =	sadd.s32 $0x10, s16  }
0x39: {  	vm1 =	vgt.s32 v0, $0x0;
	s15 =	sadd.s32 $0x10, s15;
	v2 =	vmov v0;
	(ifvalue) =	ssetifvalue $0x7FFFFFFF;
	v0 =	vld.msk [tilespmem:s16+$0x0 ss:$0x1], $0xffff  }
.Ltmp4:
0x3a: {  	_ = 	snop;
	(pc) =	sbr.rel .LBB2_4-.Ltmp4, $1  }
0x3b: {  	_ =	sdelay $0x3  }
.LBB2_6:
0x3c: {  	_ =	sfence.sel $0x180000  }
0x3d: {  	s2 =	simm.s32 $0x2;
	[bflag:$0x0] =	sbarrier.arrive $0xFFFF  }
0x3e: {  	s30 =	simm.s32 $0x3;
	[sflag:s2] =	ssyncpa.u1 $0x1  }
0x3f: {  	s31 =	simm.s32 $0x1;
	[sflag:s30] =	ssyncpa.u1 $0x1  }
0x40: {  	[sflag:s31] =	ssyncpa.u1 $0x1  }
0x41: {  	p0 =	sne.s32 s1, $0x0;
	_ =	strace $0x90000047  }
0x42: {  	s0 =	sadd.s32 @!p0 $0x100000, s0;
	[bflag:$0x2] =	sbarrier.arrive $0xFFFF  }
0x43: {  	[sflag:s0] =	ssyncadd.tile.s32 @!p0 $0x1;
	_ =	shalt  }
.Lfunc_end2:
_tile_overlayer_lowered:
.L_overlay_start_2:
0x44: {  	(tag) =	ssettag $0x2  }
0x45: {  	s0 =	rddreg [dreg:$0x0];
	s2 =	stileid.u32  }
0x46: {  	s1 =	rddreg [dreg:$0x1];
	p0 =	sne.s32 s2, $0x0  }
0x47: {  	s3 =	rddreg [dreg:$0x2];
	[bflag:$0x3] =	sbarrier.arrive $0xFFFF;
	s2 =	simm.s32 @!p0 $0x1C01  }
0x48: {  	[timem:s3], [sflag:s2] =	dma.local @!p0 [hbm:s0], s1  }
0x49: {  	s0 =	simm.s32 @!p0 $0x1  }
0x4a: {  	_ =	swait.ge @!p0 [sflag:s0], s1  }
0x4b: {  	s1 =	ssub.s32 @!p0 $0x0, s1;
	[sflag:s0] =	ssyncset.done @!p0 $0x0  }
0x4c: {  	[sflag:s0] =	ssyncadd.s32 @!p0 s1  }
0x4d: {  	[bflag:$0x3] =	sbarrier.arrive $0xFFFF  }
0x4e: {  	_ =	shalt  }

// kernel: scatter_offload_async_start
scs
__scs_entry_jumppad:
0x0: {  	(pc) =	sbr.rel $0x88, $3  }
0x1: {  	(tag) =	ssettag $0x0;
	lr =	simm.s32 $0x1  }
0x2: {  	[smem:$0x3F9E] =	sst lr;
	_ =	strace $0xD0000000  }
0x3: {  	_ = 	snop  }
0x4: {  	_ = 	snop  }
0x5: {  	_ = 	snop  }
0x6: {  	_ = 	snop  }
0x7: {  	_ = 	snop  }
__scs_overlays_trampoline_lowered:
0x8: {  	[smem:$0x3FAD] =	sst s0  }
0x9: {  	[smem:$0x3FAE] =	sst s1  }
0xa: {  	[smem:$0x3FAF] =	sst s2  }
0xb: {  	[smem:$0x3FB0] =	sst s3  }
0xc: {  	[smem:$0x3FB1] =	sst s4  }
0xd: {  	[smem:$0x3FB2] =	sst s5  }
0xe: {  	[smem:$0x3FB3] =	sst s6  }
0xf: {  	[smem:$0x3FB4] =	sst s7  }
0x10: {  	[smem:$0x3FB5] =	sst s8  }
0x11: {  	[smem:$0x3FB6] =	sst s9;
	s0 =	simm.s32 @!p0 $0x0  }
0x12: {  	s1 =	sld [smem:$0x3F9C];
	s0 =	simm.s32 @p0 $0x1  }
0x13: {  	[smem:$0x3FB7] =	sst s0;
	s0 =	simm.s32 @!p1 $0x0  }
0x14: {  	s2 =	sld [smem:$0x3F9B];
	s0 =	simm.s32 @p1 $0x1  }
0x15: {  	[smem:$0x3FB8] =	sst s0;
	s0 =	simm.s32 @!p2 $0x0  }
0x16: {  	s3 =	sld [smem:$0x3FDB];
	s0 =	simm.s32 @p2 $0x1  }
0x17: {  	s4 =	simm.s32 $0x1BF5;
	[smem:$0x3FBA] =	sst s0  }
0x18: {  	s0 =	sld [smem:$0x3F9D];
	_ =	swait.ge [sflag:s4], $0x0  }
0x19: {  	s7 =	sld [smem:$0x3F9E]  }
0x1a: {  	s8 =	sadd.s32 $0xFFFFE003, lr  }
0x1b: {  	s9 =	sadd.s32 $0xFFFFFEF7, lr;
	s5 =	simm.s32 $0xFFFFFFFF;
	p2 =	slt.u32 s8, $0xFFFFF086  }
0x1c: {  	p1 =	slt.u32 s9, $0xF7A;
	s5 =	simm.s32 @!p2 $0x0  }
0x1d: {  	s5 =	simm.s32 @p1 $0x1;
	p0 =	seq.s32 s7, s2  }
0x1e: {  	s7 =	smul.u32 @!p0 $0xF7A, s2;
	p2 =	seq.s32 @!p0 s5, $0x0  }
0x1f: {  	s9 =	smul.u32 $0xF7A, s1;
	s8 =	simm.s32 @!p0 $0x1BF5;
	p2 =	por !p2, p0  }
0x20: {  	[sflag:s8] =	ssyncset.s32 @!p0 $0xFFFFF086;
	s6 =	sadd.s32 @!p0 s3, s7;
	s7 =	simm.s32 @!p0 $0x108  }
0x21: {  	s3 =	sadd.s32 s3, s9;
	s6 =	sadd.s32 @!p0 $0x88, s6;
	s7 =	simm.s32 @p2 $0x1082  }
0x22: {  	[simem:s7], [sflag:s8] =	dma.local @!p0 [hbm:s6], $0xF7A  }
0x23: {  	s9 =	sor.u32 $0xD0000000, s2;
	s6 =	simm.s32 $0x108;
	_ =	swait.ge @!p0 [sflag:s8], $0x0  }
0x24: {  	s3 =	sadd.s32 $0x88, s3;
	s6 =	simm.s32 @!p1 $0x1082;
	[sflag:s4] =	ssyncset.s32 $0xFFFFF086  }
0x25: {  	[simem:s6], [sflag:s4] =	dma.local [hbm:s3], $0xF7A  }
0x26: {  	[smem:$0x3F9E] =	sst s1;
	(tag) =	ssettag s2;
	_ =	strace s9  }
0x27: {  	s1 =	sld [smem:$0x3FAE]  }
0x28: {  	s2 =	sld [smem:$0x3FAF]  }
0x29: {  	s4 =	sld [smem:$0x3FB1]  }
0x2a: {  	p0 =	seq.s32 s5, $0x0;
	s5 =	sld [smem:$0x3FB2]  }
0x2b: {  	s6 =	sld [smem:$0x3FB3]  }
0x2c: {  	s7 =	sld [smem:$0x3FB4]  }
0x2d: {  	s3 =	simm.s32 $0x108;
	s8 =	sld [smem:$0x3FB5]  }
0x2e: {  	s3 =	simm.s32 @!p0 $0x1082;
	s9 =	sld [smem:$0x3FB6]  }
0x2f: {  	lr =	sadd.s32 s0, s3;
	s0 =	sld [smem:$0x3FAD]  }
0x30: {  	s3 =	sld [smem:$0x3FB0]  }
0x31: {  	[smem:$0x3FB9] =	sst s10  }
0x32: {  	s10 =	sld [smem:$0x3FB7];
	_ =	sdelay $0x3  }
0x33: {  	p0 =	seq.s32 s10, $0x1;
	s10 =	sld [smem:$0x3FB9];
	_ =	sdelay $0x3  }
0x34: {  	[smem:$0x3FB9] =	sst s10  }
0x35: {  	s10 =	sld [smem:$0x3FB8];
	_ =	sdelay $0x3  }
0x36: {  	p1 =	seq.s32 s10, $0x1;
	s10 =	sld [smem:$0x3FB9];
	_ =	sdelay $0x3  }
0x37: {  	[smem:$0x3FB9] =	sst s10  }
0x38: {  	s10 =	sld [smem:$0x3FBA]  }
0x39: {  	_ = 	snop;
	(pc) =	sbr.ind lr, $3  }
0x3a: {  	_ = 	snop  }
0x3b: {  	_ = 	snop  }
0x3c: {  	p2 =	seq.s32 s10, $0x1;
	s10 =	sld [smem:$0x3FB9]  }
0x3d: {  	_ =	shalt  }
0x3e: {  	_ =	shalt  }
0x3f: {  	_ =	shalt  }
0x40: {  	_ =	shalt  }
0x41: {  	_ =	shalt  }
0x42: {  	_ =	shalt  }
0x43: {  	_ =	shalt  }
0x44: {  	_ =	shalt  }
0x45: {  	_ =	shalt  }
0x46: {  	_ =	shalt  }
0x47: {  	_ =	shalt  }
0x48: {  	_ =	shalt  }
0x49: {  	_ =	shalt  }
0x4a: {  	_ =	shalt  }
0x4b: {  	_ =	shalt  }
0x4c: {  	_ =	shalt  }
0x4d: {  	_ =	shalt  }
0x4e: {  	_ =	shalt  }
0x4f: {  	_ =	shalt  }
0x50: {  	_ =	shalt  }
0x51: {  	_ =	shalt  }
0x52: {  	_ =	shalt  }
0x53: {  	_ =	shalt  }
0x54: {  	_ =	shalt  }
0x55: {  	_ =	shalt  }
0x56: {  	_ =	shalt  }
0x57: {  	_ =	shalt  }
0x58: {  	_ =	shalt  }
0x59: {  	_ =	shalt  }
0x5a: {  	_ =	shalt  }
0x5b: {  	_ =	shalt  }
0x5c: {  	_ =	shalt  }
0x5d: {  	_ =	shalt  }
0x5e: {  	_ =	shalt  }
0x5f: {  	_ =	shalt  }
0x60: {  	_ =	shalt  }
0x61: {  	_ =	shalt  }
0x62: {  	_ =	shalt  }
0x63: {  	_ =	shalt  }
0x64: {  	_ =	shalt  }
0x65: {  	_ =	shalt  }
0x66: {  	_ =	shalt  }
0x67: {  	_ =	shalt  }
0x68: {  	_ =	shalt  }
0x69: {  	_ =	shalt  }
0x6a: {  	_ =	shalt  }
0x6b: {  	_ =	shalt  }
0x6c: {  	_ =	shalt  }
0x6d: {  	_ =	shalt  }
0x6e: {  	_ =	shalt  }
0x6f: {  	_ =	shalt  }
0x70: {  	_ =	shalt  }
0x71: {  	_ =	shalt  }
0x72: {  	_ =	shalt  }
0x73: {  	_ =	shalt  }
0x74: {  	_ =	shalt  }
0x75: {  	_ =	shalt  }
0x76: {  	_ =	shalt  }
0x77: {  	_ =	shalt  }
0x78: {  	_ =	shalt  }
0x79: {  	_ =	shalt  }
0x7a: {  	_ =	shalt  }
0x7b: {  	_ =	shalt  }
0x7c: {  	_ =	shalt  }
0x7d: {  	_ =	shalt  }
0x7e: {  	_ =	shalt  }
0x7f: {  	_ =	shalt  }
0x80: {  	_ =	shalt  }
0x81: {  	_ =	shalt  }
0x82: {  	_ =	shalt  }
0x83: {  	_ =	shalt  }
0x84: {  	_ =	shalt  }
0x85: {  	_ =	shalt  }
0x86: {  	_ =	shalt  }
0x87: {  	_ =	shalt  }
.Lfunc_end0:
.L_simem_size_0:
called_computation_lowered:
.L_overlay_start_0:
0x88: {  	s0 =	sld [smem:$0x3FD9]  }
0x89: {  	s1 =	sld [smem:$0x3FFE];
	_ =	sdelay $0x3  }
0x8a: {  	s0 =	sadd.s32 s1, s0  }
0x8b: {  	[smem:$0x3FC5] =	sst s0  }
0x8c: {  	_ = 	snop  }
0x8d: {  	(tm) =	ssettm $0x1  }
0x8e: {  	s15 =	sld [smem:$0x3FFB];
	_ =	sdelay $0x3  }
0x8f: {  	_ =	strace s15  }
0x90: {  	s0 =	sld [smem:$0x3FFC];
	_ =	sdelay $0x3  }
0x91: {  	_ =	strace s0  }
0x92: {  	s0 =	sld [smem:$0x3FFD];
	_ =	sdelay $0x3  }
0x93: {  	_ =	strace s0  }
0x94: {  	_ =	strace $0x8FFFFFFF  }
0x95: {  	s16 =	sld [smem:$0x3FDB];
	_ =	sdelay $0x1  }
0x96: {  	s17 =	simm.s32 $_scs_section_size  }
0x97: {  	s2 =	simm.s32 $_size__tile_overlayer_lowered;
	s3 =	simm.s32 $_tile_overlayer_lowered  }
0x98: {  	s20 =	simm.s32 $0x1BFF;
	s19 =	sshll.u32 s3, $0x1;
	s0 =	sadd.s32 s17, s16  }
0x99: {  	s4 =	simm.s32 $0x0;
	s18 =	sshll.u32 s2, $0x1;
	s2 =	sadd.s32 s19, s0  }
0x9a: {  	[timem:s4], [sflag:s20] =	dma.local [hbm:s2], s18  }
0x9b: {  	_ =	swait.ge [sflag:s20], s18  }
0x9c: {  	s1 =	ssub.s32 $0x0, s18;
	[sflag:s20] =	ssyncset.done $0x0  }
0x9d: {  	[sflag:s20] =	ssyncadd.s32 s1;
	_ =	sdelay $0x1  }
0x9e: {  	s21 =	simm.s32 $0x1B8B  }
0x9f: {  	_ =	swait.ge [sflag:s21], $0x1  }
0xa0: {  	[sflag:s21] =	ssyncset.done $0x0  }
0xa1: {  	s23 =	simm.s32 $0x1B8E;
	s22 =	sld [smem:$0x3FFE];
	[sflag:s21] =	ssyncadd.s32 $0xFFFFFFFF  }
0xa2: {  	s24 =	simm.s32 $execute0_lowered;
	[smem:$0x3FD2] =	sst s23  }
0xa3: {  	s2 =	sshll.u32 s24, $0x1;
	_ =	strace $0x80000049;
	[dreg:$0x1] =	wrdreg $0xFFFFFFFF  }
0xa4: {  	s25 =	simm.s32 $_size_execute0_lowered;
	s0 =	sadd.s32 s0, s2;
	[dreg:$0x0] =	wrdreg $0x0  }
0xa5: {  	s2 =	sshll.u32 s25, $0x1;
	[dreg:$0x2] =	wrdreg s0  }
0xa6: {  	[dreg:$0x3] =	wrdreg s2  }
0xa7: {  	[dreg:$0x4] =	wrdreg $0xC0  }
0xa8: {  	_ =	task [dreg:s4], $0x5FFFF  }
0xa9: {  	[dreg:$0x1] =	wrdreg $0xFFFFFFFF  }
0xaa: {  	[dreg:$0x0] =	wrdreg $0x60  }
0xab: {  	[dreg:$0x2] =	wrdreg s22  }
0xac: {  	[dreg:$0x3] =	wrdreg $0x9  }
0xad: {  	_ =	task.clear_ibuf [dreg:s4], $0x4FFFF;
	_ =	strace $0x90000049  }
0xae: {  	s26 =	simm.s32 $0x9;
	_ =	strace $0x8000004B  }
0xaf: {  	_ =	swait.ge [sflag:s26], $0x1  }
0xb0: {  	[sflag:s26] =	ssyncadd.s32 $0xFFFFFFFF  }
0xb1: {  	_ =	strace $0x9000004B  }
0xb2: {  	_ =	sfence  }
0xb3: {  	s28 =	sld [smem:$0x0];
	_ =	sdelay $0x1  }
0xb4: {  	s29 =	srdreg.scid  }
0xb5: {  	s30 =	sshll.u32 s29, $0xD;
	s31 =	sshrl.u32 s29, $0x2  }
0xb6: {  	s1 =	sand.u32 $0x1, s29;
	s2 =	sand.u32 $0x4000, s30;
	s0 =	sadd.s32 s31, s28  }
0xb7: {  	s1 =	sor.u32 s2, s1;
	s0 =	sshll.u32 s0, $0x11  }
0xb8: {  	s0 =	sor.u32 s0, s1  }
0xb9: {  	s0 =	sadd.s32 $0x8F2B, s0  }
0xba: {  	[sflag:s0] =	ssyncadd.remote.s32 $0x1  }
0xbb: {  	_ =	sfence.sel $0xFFFF  }
0xbc: {  	[dreg:$0x0] =	wrdreg $0xFFFFFFFF;
	(pc) =	sbr.abs _section_cstart, $3  }
0xbd: {  	[dreg:$0x1] =	wrdreg $0xFFFFFFFF  }
0xbe: {  	_ =	task.clear_ibuf [dreg:s4], $0x2FFFF;
	_ =	strace $0x9FFFFFFF  }
0xbf: {  	(tm) =	ssettm $0x7FFFFFFF  }
tec
execute0_lowered:
.L_overlay_start_1:
0x0: {  	(tag) =	ssettag $0x1  }
0x1: {  	s7 =	rddreg [dreg:$0x0]  }
0x2: {  	s0 =	rddreg [dreg:$0x1]  }
0x3: {  	_ =	strace $0x8000004A;
	s3 =	stileid.u32;
	s4 =	simm.s32 $0x3E  }
0x4: {  	s1 =	sadd.s32 $0x14600, s7;
	p0 =	sne.s32 s3, $0x0;
	[sflag:s4] =	ssyncpa.u1 $0x0  }
0x5: {  	s30 =	smin.u32 s3, $0x4;
	s2 =	simm.s32 @!p0 $0x1C3E;
	s5 =	simm.s32 @!p0 $0x0  }
0x6: {  	[spmem:s5], [sflag:s2] =	dma.local @!p0 [hbm:s1], $0x10  }
0x7: {  	s2 =	sadd.s32 s3, s30  }
0x8: {  	p1 =	slt.u32 s3, $0x4;
	s3 =	simm.s32 $0x3E80;
	s2 =	smul.u32 $0x1F40, s2  }
0x9: {  	s3 =	simm.s32 @!p1 $0x1F40  }
0xa: {  	s3 =	sadd.s32 s3, s2  }
0xb: {  	s3 =	smin.u32 s3, $0x27100  }
0xc: {  	s8 =	ssub.s32 s3, s2  }
0xd: {  	p1 =	sgt.s32 s8, $0x0  }
0xe: {  	s8 =	simm.s32 @!p1 $0x0  }
0xf: {  	s5 =	simm.s32 @!p0 $0x3E;
	s31 =	smulhi.u32 $0x10624DD3, s8  }
0x10: {  	_ =	swait.ge @!p0 [sflag:s5], $0x10  }
0x11: {  	s6 =	simm.s32 $0x2;
	[sflag:s5] =	ssyncset.done @!p0 $0x0;
	s9 =	sshrl.u32 s31, $0x9  }
0x12: {  	s11 =	simm.s32 $0x0;
	[sflag:s5] =	ssyncadd.s32 @!p0 $0xFFFFFFF0;
	s10 =	smul.u32 $0x1F40, s9  }
.Ltmp0:
0x13: {  	s5 =	sadd.s32 $0x5600, s7;
	[bflag:$0x0] =	sbarrier.arrive $0xFFFF;
	(pc) =	sbr.rel .LBB2_1-.Ltmp0, $4  }
0x14: {  	s7 =	sadd.s32 $0x14800, s7;
	[sflag:s4] =	ssyncpa.u1 $0x1;
	s4 =	simm.s32 $0x1  }
0x15: {  	[sflag:s4] =	ssyncpa.u1 $0x0;
	p1 =	sne.s32 s8, s10;
	s8 =	simm.s32 $0x1  }
0x16: {  	(ifvalue) =	ssetifvalue $0x80;
	[sflag:s6] =	ssyncpa.u1 $0x0;
	s8 =	simm.s32 @!p1 $0x0  }
0x17: {  	vm0 =	vmmov $0xffff;
	s10 =	smov.u32 s2;
	s8 =	sadd.s32 s8, s9;
	s9 =	simm.s32 $0x0  }
.LBB2_5:
0x18: {  	p2 =	sne.s32 s11, s8  }
.Ltmp1:
0x19: {  	_ = 	snop;
	(pc) =	sbr.rel @!p2 .LBB2_6-.Ltmp1, $4  }
0x1a: {  	_ = 	snop  }
0x1b: {  	s12 =	sadd.s32 $0x1F40, s10  }
0x1c: {  	s10 =	smov.u32 s2;
	s13 =	sadd.s32 $0x1, s11;
	p1 =	slt.s32 s12, s3  }
0x1d: {  	s11 =	smov.u32 s13;
	s10 =	smov.u32 @p1 s12  }
.LBB2_1:
0x1e: {  	p1 =	sge.u32 s11, s8  }
0x1f: {  	s12 =	sxor.u32 @!p1 $0xFFFFFFFF, s11  }
0x20: {  	s12 =	sand.u32 @!p1 $0x1, s12  }
0x21: {  	s12 =	smul.u32 @!p1 $0x1F40, s12  }
0x22: {  	s13 =	sshrl.u32 @!p1 s10, $0x3  }
0x23: {  	s16 =	sand.u32 @!p1 $0x7, s10;
	s14 =	sadd.s32 @!p1 s5, s13;
	s15 =	sor.u32 @!p1 $0x8, s12  }
0x24: {  	[tilespmem:s15], [sflag:$0x2] =	stream.linear.gather @!p1 [hbm4b:s14+s16], $0x1F40, $0x38;
	[tilespmem:$0x7D08] =	vst v63  }
0x25: {  	s13 =	sadd.s32 @!p1 s7, s13;
	s12 =	sadd.s32 @!p1 $0x3E88, s12  }
0x26: {  	[tilespmem:s12], [sflag:$0x2] =	stream.linear.gather @!p1 [hbm4b:s13+s16], $0x1F40, $0x38;
	[tilespmem:$0x7D08] =	vst v63  }
0x27: {  	p1 =	seq.s32 s11, $0x0  }
.Ltmp2:
0x28: {  	_ = 	snop;
	(pc) =	sbr.rel @p1 .LBB2_5-.Ltmp2, $1  }
0x29: {  	_ =	sdelay $0x3  }
0x2a: {  	s12 =	sand.u32 $0x1, s11  }
0x2b: {  	_ =	swait.ge [sflag:s6], $0x3E80;
	p1 =	seq.s32 s12, $0x1;
	s12 =	simm.s32 $0x1F40  }
0x2c: {  	[sflag:s6] =	ssyncset.done $0x0;
	s12 =	simm.s32 @!p1 $0x0  }
0x2d: {  	[sflag:s6] =	ssyncadd.s32 $0xFFFFC180;
	s14 =	sor.u32 $0x8, s12  }
0x2e: {  	v0 =	vld.msk [tilespmem:s14+$0x0 ss:$0x1], $0xffff;
	_ =	sdelay $0x4  }
0x2f: {  	v0 =	vmin.u32 v0, $0x80;
	_ =	sdelay $0x3  }
0x30: {  	s13 =	simm.s32 $0x0;
	s12 =	sadd.s32 $0x3E88, s12;
	s14 =	sadd.s32 $0x10, s14  }
0x31: {  	[spmem:s9] =	stream.indirect_vreg.scatter.add.s32 [tilespmem:s12], [sflag:$0x1], $0x1, v0, vm0, $0x4038;
	[tilespmem:$0x7D08] =	vst v63  }
.LBB2_3:
0x32: {  	v0 =	vld.msk [tilespmem:s14+$0x0 ss:$0x1], $0xffff;
	s13 =	sadd.s32 $0x10, s13  }
0x33: {  	p1 =	slt.u32 s13, $0x1F30;
	_ =	sdelay $0x4  }
0x34: {  	v0 =	vmin.u32 v0, $0x80  }
.Ltmp3:
0x35: {  	(pc) =	sbr.rel @p1 .LBB2_3-.Ltmp3, $3  }
0x36: {  	_ =	sdelay $0x1  }
0x37: {  	s14 =	sadd.s32 $0x10, s14;
	s12 =	sadd.s32 $0x10, s12  }
0x38: {  	[spmem:s9] =	stream.indirect_vreg.scatter.add.s32 [tilespmem:s12], [sflag:$0x1], $0x1, v0, vm0, $0x4038;
	[tilespmem:$0x7D08] =	vst v63  }
.Ltmp4:
0x39: {  	(pc) =	sbr.rel .LBB2_5-.Ltmp4, $4  }
0x3a: {  	_ = 	snop  }
0x3b: {  	_ =	swait.ge [sflag:s4], $0x1F40  }
0x3c: {  	[sflag:s4] =	ssyncset.done $0x0  }
0x3d: {  	[sflag:s4] =	ssyncadd.s32 $0xFFFFE0C0  }
.LBB2_6:
0x3e: {  	_ =	sfence.sel $0x180000  }
0x3f: {  	s2 =	simm.s32 $0x2;
	[bflag:$0x0] =	sbarrier.arrive $0xFFFF  }
0x40: {  	s30 =	simm.s32 $0x1;
	[sflag:s2] =	ssyncpa.u1 $0x1  }
0x41: {  	[sflag:s30] =	ssyncpa.u1 $0x1  }
0x42: {  	_ =	sfence.stream.spmem  }
0x43: {  	s31 =	simm.s32 $0x3D;
	[bflag:$0x0] =	sbarrier.arrive $0xFFFF  }
0x44: {  	s2 =	simm.s32 @p0 $0x3D;
	[sflag:s31] =	ssyncpa.u1 $0x0  }
0x45: {  	[sflag:s2] =	ssyncpa.u1 @p0 $0x1  }
0x46: {  	[bflag:$0x0] =	sbarrier.arrive @p0 $0xFFFF  }
0x47: {  	_ =	strace @p0 $0x9000004A  }
0x48: {  	s3 =	simm.s32 @!p0 $0x1C3D;
	s2 =	simm.s32 @!p0 $0x0;
	[bflag:$0x2] =	sbarrier.arrive @p0 $0xFFFF  }
0x49: {  	[hbm:s1], [sflag:s3] =	dma.local @!p0 [spmem:s2], $0x10  }
0x4a: {  	s1 =	simm.s32 @!p0 $0x3D  }
0x4b: {  	_ =	swait.ge @!p0 [sflag:s1], $0x10  }
0x4c: {  	[sflag:s1] =	ssyncset.done @!p0 $0x0  }
0x4d: {  	[sflag:s1] =	ssyncadd.s32 @!p0 $0xFFFFFFF0  }
0x4e: {  	[sflag:s1] =	ssyncpa.u1 @!p0 $0x1  }
0x4f: {  	[bflag:$0x0] =	sbarrier.arrive @!p0 $0xFFFF  }
0x50: {  	_ =	strace @!p0 $0x9000004A  }
0x51: {  	s0 =	sadd.s32 @!p0 $0x100000, s0;
	[bflag:$0x2] =	sbarrier.arrive @!p0 $0xFFFF  }
0x52: {  	[sflag:s0] =	ssyncadd.tile.s32 @!p0 $0x1;
	_ =	shalt  }
.Lfunc_end2:
_tile_overlayer_lowered:
.L_overlay_start_2:
0x53: {  	(tag) =	ssettag $0x2  }
0x54: {  	s0 =	rddreg [dreg:$0x0];
	s2 =	stileid.u32  }
0x55: {  	s1 =	rddreg [dreg:$0x1];
	p0 =	sne.s32 s2, $0x0  }
0x56: {  	s3 =	rddreg [dreg:$0x2];
	[bflag:$0x3] =	sbarrier.arrive $0xFFFF;
	s2 =	simm.s32 @!p0 $0x1C01  }
0x57: {  	[timem:s3], [sflag:s2] =	dma.local @!p0 [hbm:s0], s1  }
0x58: {  	s0 =	simm.s32 @!p0 $0x1  }
0x59: {  	_ =	swait.ge @!p0 [sflag:s0], s1  }
0x5a: {  	s1 =	ssub.s32 @!p0 $0x0, s1;
	[sflag:s0] =	ssyncset.done @!p0 $0x0  }
0x5b: {  	[sflag:s0] =	ssyncadd.s32 @!p0 s1  }
0x5c: {  	[bflag:$0x3] =	sbarrier.arrive $0xFFFF  }
0x5d: {  	_ =	shalt  }

</sc_bundles>
